<compile_context>
chip_gen: v7x
topology: tpu7x:2x2x1
jax: 0.10.2.dev20260603
libtpu: 0.0.44.dev20260713+nightly
codegen_flags: <defaults>
</compile_context>

<pallas_src>
import functools

import jax
import jax.numpy as jnp
from jax import lax
from jax.experimental import pallas as pl
from jax.experimental.pallas import tpu as pltpu
from jax.experimental.pallas import tpu_sc as plsc

N_FEAT = 26
B = 1024
L = 50
CARD = 101
EDIM = 8
D = N_FEAT * EDIM
H = 128
G3 = 3 * H
TOP = 32
ROWS = B * L

_NC = 2
_NS = 16
_NW = _NC * _NS
_SC_TOTAL = ROWS * N_FEAT
_PER_W = _SC_TOTAL // _NW
_CH = 5200
_NCHUNK = _PER_W // _CH


def _sc_gather_kernel(table_ref, idx_ref, out_ref, idx_v, rows_v,
                      sem_i0, sem_i1, sem_g, sem_o0, sem_o1):
    wid = lax.axis_index("s") * _NC + lax.axis_index("c")
    base = wid * _PER_W
    sem_i = (sem_i0, sem_i1)
    sem_o = (sem_o0, sem_o1)

    def idx_copy(ci, s):
        return pltpu.make_async_copy(
            idx_ref.at[pl.ds(base + ci * _CH, _CH)], idx_v.at[s], sem_i[s])

    def out_copy(ci, s):
        return pltpu.make_async_copy(
            rows_v.at[s], out_ref.at[pl.ds(base + ci * _CH, _CH)], sem_o[s])

    idx_copy(0, 0).start()
    for ci in range(_NCHUNK):
        s = ci % 2
        if ci + 1 < _NCHUNK:
            idx_copy(ci + 1, 1 - s).start()
        idx_copy(ci, s).wait()
        if ci >= 2:
            out_copy(ci - 2, s).wait()
        pltpu.async_copy(table_ref.at[idx_v.at[s]], rows_v.at[s], sem_g).wait()
        out_copy(ci, s).start()
    out_copy(_NCHUNK - 2, _NCHUNK % 2).wait()
    out_copy(_NCHUNK - 1, (_NCHUNK - 1) % 2).wait()


def _gru_kernel(xf_ref, xb_ref, wxf_ref, bxf_ref, wxb_ref, bxb_ref,
                whhf_ref, bhhf_ref, whhb_ref, bhhb_ref,
                wc_ref, bc_ref, wh_ref, bh_ref, out_ref,
                hf, hb, mxf, mxb, smf, smb):
    l = pl.program_id(0)

    @pl.when(l == 0)
    def _init():
        zeros = jnp.zeros((B, H), dtype=jnp.float32)
        neg = jnp.full((B, H), -1e30, dtype=jnp.float32)
        hf[...] = zeros
        hb[...] = zeros
        smf[...] = zeros
        smb[...] = zeros
        mxf[...] = neg
        mxb[...] = neg

    def step(x_blk, wx_ref, bx_ref, h, whhT_ref, bhh_ref):
        gi = jnp.dot(x_blk, wx_ref[...], preferred_element_type=jnp.float32) + bx_ref[0]
        gh = jnp.dot(h, whhT_ref[...], preferred_element_type=jnp.float32) + bhh_ref[0]
        r = jax.nn.sigmoid(gi[:, :H] + gh[:, :H])
        z = jax.nn.sigmoid(gi[:, H:2 * H] + gh[:, H:2 * H])
        n = jnp.tanh(gi[:, 2 * H:] + r * gh[:, 2 * H:])
        return (1.0 - z) * n + z * h

    hf_new = step(xf_ref[0], wxf_ref, bxf_ref, hf[...], whhf_ref, bhhf_ref)
    hb_new = step(xb_ref[0], wxb_ref, bxb_ref, hb[...], whhb_ref, bhhb_ref)
    hf[...] = hf_new
    hb[...] = hb_new
    mxf[...] = jnp.maximum(mxf[...], hf_new)
    mxb[...] = jnp.maximum(mxb[...], hb_new)
    smf[...] = smf[...] + hf_new
    smb[...] = smb[...] + hb_new

    @pl.when(l == L - 1)
    def _head():
        inv_l = 1.0 / L
        combined = jnp.concatenate(
            [hf[...], hb[...], mxf[...], mxb[...], smf[...] * inv_l, smb[...] * inv_l],
            axis=1)
        act = jax.nn.relu(
            jnp.dot(combined, wc_ref[...], preferred_element_type=jnp.float32)
            + bc_ref[0])
        out_ref[...] = jnp.sum(act * wh_ref[0][None, :], axis=1, keepdims=True) + bh_ref[0]


def kernel(features, emb, Wih_f, Whh_f, bih_f, bhh_f, Wih_b, Whh_b, bih_b, bhh_b,
           Wc, bc, Wh, bh):
    feat3 = jnp.transpose(features, (2, 1, 0)).reshape(ROWS, N_FEAT)
    idx_flat = (feat3 + CARD * jnp.arange(N_FEAT, dtype=jnp.int32)[None, :]
                ).reshape(_SC_TOTAL)
    emb_flat = emb.reshape(N_FEAT * CARD, EDIM)
    Wxf = Wih_f.T
    Wxb = Wih_b.T
    bxf = bih_f.reshape(1, G3)
    bxb = bih_b.reshape(1, G3)
    WhhfT = Whh_f.T
    WhhbT = Whh_b.T
    bhhf2 = bhh_f.reshape(1, G3)
    bhhb2 = bhh_b.reshape(1, G3)
    WcT = Wc.T
    bc2 = bc.reshape(1, TOP)
    bh2 = bh.reshape(1, 1)

    gather = functools.partial(
        pl.kernel,
        mesh=plsc.VectorSubcoreMesh(core_axis_name="c", subcore_axis_name="s"),
        out_type=jax.ShapeDtypeStruct((_SC_TOTAL, EDIM), jnp.float32),
        scratch_types=[
            pltpu.VMEM((2, _CH), jnp.int32),
            pltpu.VMEM((2, _CH, EDIM), jnp.float32),
            pltpu.SemaphoreType.DMA,
            pltpu.SemaphoreType.DMA,
            pltpu.SemaphoreType.DMA,
            pltpu.SemaphoreType.DMA,
            pltpu.SemaphoreType.DMA,
        ],
        compiler_params=pltpu.CompilerParams(
            needs_layout_passes=False, use_tc_tiling_on_sc=False),
    )(_sc_gather_kernel)
    x = gather(emb_flat, idx_flat).reshape(L, B, D)

    out = pl.pallas_call(
        _gru_kernel,
        grid=(L,),
        in_specs=[
            pl.BlockSpec((1, B, D), lambda l: (l, 0, 0)),
            pl.BlockSpec((1, B, D), lambda l: (L - 1 - l, 0, 0)),
            pl.BlockSpec((D, G3), lambda l: (0, 0)),
            pl.BlockSpec((1, G3), lambda l: (0, 0)),
            pl.BlockSpec((D, G3), lambda l: (0, 0)),
            pl.BlockSpec((1, G3), lambda l: (0, 0)),
            pl.BlockSpec((H, G3), lambda l: (0, 0)),
            pl.BlockSpec((1, G3), lambda l: (0, 0)),
            pl.BlockSpec((H, G3), lambda l: (0, 0)),
            pl.BlockSpec((1, G3), lambda l: (0, 0)),
            pl.BlockSpec((6 * H, TOP), lambda l: (0, 0)),
            pl.BlockSpec((1, TOP), lambda l: (0, 0)),
            pl.BlockSpec((1, TOP), lambda l: (0, 0)),
            pl.BlockSpec((1, 1), lambda l: (0, 0)),
        ],
        out_specs=pl.BlockSpec((B, 1), lambda l: (0, 0)),
        out_shape=jax.ShapeDtypeStruct((B, 1), jnp.float32),
        scratch_shapes=[pltpu.VMEM((B, H), jnp.float32)] * 6,
        compiler_params=pltpu.CompilerParams(
            dimension_semantics=("arbitrary",)),
    )(x, x, Wxf, bxf, Wxb, bxb, WhhfT, bhhf2, WhhbT, bhhb2, WcT, bc2, Wh, bh2)
    return out

# --- scband reference (transcript-rebuilt; emitter-appended) ---
"""Pipeline reference for scband-credits-rnn-bi-pool-drop-38062000177892 (READ-ONLY COPY).

The authoritative reference and input builder live on the scoring server;
editing this copy changes nothing except your own understanding.
"""

import jax, jax.numpy as jnp
import numpy as np

N_FEAT = 26
B = 1024
L = 50
CARD = 101
EDIM = 8
D = N_FEAT * EDIM
H = 128
TOP = 32

def setup_inputs(seed: int = 0) -> dict:
    key = jax.random.key(seed)
    ks = jax.random.split(key, 16)
    features = jax.random.randint(ks[0], (N_FEAT, B, L), 0, 100, dtype=jnp.int32)
    emb = jax.random.normal(ks[1], (N_FEAT, CARD, EDIM), dtype=jnp.float32) * 0.05
    emb = emb.at[:, 0, :].set(0.0)  # padding_idx=0
    s = 1.0 / np.sqrt(H)
    def u(k, shape):
        return jax.random.uniform(k, shape, minval=-s, maxval=s, dtype=jnp.float32)
    Wih_f = u(ks[2], (3 * H, D)); Whh_f = u(ks[3], (3 * H, H))
    bih_f = u(ks[4], (3 * H,));   bhh_f = u(ks[5], (3 * H,))
    Wih_b = u(ks[6], (3 * H, D)); Whh_b = u(ks[7], (3 * H, H))
    bih_b = u(ks[8], (3 * H,));   bhh_b = u(ks[9], (3 * H,))
    sc = 1.0 / np.sqrt(6 * H)
    Wc = jax.random.uniform(ks[10], (TOP, 6 * H), minval=-sc, maxval=sc, dtype=jnp.float32)
    bc = jax.random.uniform(ks[11], (TOP,), minval=-sc, maxval=sc, dtype=jnp.float32)
    sh = 1.0 / np.sqrt(TOP)
    Wh = jax.random.uniform(ks[12], (1, TOP), minval=-sh, maxval=sh, dtype=jnp.float32)
    bh = jax.random.uniform(ks[13], (1,), minval=-sh, maxval=sh, dtype=jnp.float32)
    return {"features": features, "emb": emb,
            "Wih_f": Wih_f, "Whh_f": Whh_f, "bih_f": bih_f, "bhh_f": bhh_f,
            "Wih_b": Wih_b, "Whh_b": Whh_b, "bih_b": bih_b, "bhh_b": bhh_b,
            "Wc": Wc, "bc": bc, "Wh": Wh, "bh": bh}

def _gru_step(Wih, Whh, bih, bhh):
    def step(h, xt):
        gi = xt @ Wih.T + bih
        gh = h @ Whh.T + bhh
        i_r, i_z, i_n = jnp.split(gi, 3, axis=-1)
        h_r, h_z, h_n = jnp.split(gh, 3, axis=-1)
        r = jax.nn.sigmoid(i_r + h_r)
        z = jax.nn.sigmoid(i_z + h_z)
        n = jnp.tanh(i_n + r * h_n)
        hn = (1.0 - z) * n + z * h
        return hn, hn
    return step

def reference(features, emb, Wih_f, Whh_f, bih_f, bhh_f, Wih_b, Whh_b, bih_b, bhh_b, Wc, bc, Wh, bh):
    # embedding lookups per feature, concat along last dim (eval mode: dropout is identity)
    gathered = jax.vmap(lambda t, idx: t[idx])(emb, features)  # [N_FEAT, B, L, EDIM]
    x = jnp.transpose(gathered, (1, 2, 0, 3)).reshape(B, L, D)
    xs = jnp.transpose(x, (1, 0, 2))  # [L, B, D]
    h0 = jnp.zeros((B, H), dtype=x.dtype)
    hT_f, outs_f = jax.lax.scan(_gru_step(Wih_f, Whh_f, bih_f, bhh_f), h0, xs)
    hT_b, outs_b = jax.lax.scan(_gru_step(Wih_b, Whh_b, bih_b, bhh_b), h0, xs[::-1])
    outs_b = outs_b[::-1]
    output = jnp.transpose(jnp.concatenate([outs_f, outs_b], axis=-1), (1, 0, 2))  # [B, L, 2H]
    rnn_features = jnp.concatenate([hT_f, hT_b], axis=-1)  # [B, 2H]
    max_pool = jnp.max(output, axis=1)
    avg_pool = jnp.mean(output, axis=1)
    combined = jnp.concatenate([rnn_features, max_pool, avg_pool], axis=1)  # [B, 6H]
    act = jax.nn.relu(combined @ Wc.T + bc)
    return act @ Wh.T + bh

if __name__ == "__main__":
    import jax
    _d = setup_inputs()
    print(jax.jit(kernel)(*tuple(_d.values())))

</pallas_src>

<mosaic_0001>
#map = affine_map<(d0, d1) -> (0, 0)>
#map1 = affine_map<(d0, d1) -> (0)>
module attributes {stable_mosaic.version = 14 : i64} {
  func.func @_sc_gather_kernel(%arg0: i32, %arg1: i32, %arg2: memref<2626x8xf32, #tpu.memory_space<hbm>>, %arg3: memref<1331200xi32, #tpu.memory_space<hbm>>, %arg4: memref<1331200x8xf32, #tpu.memory_space<hbm>>, %arg5: memref<2x5200xi32, #tpu.memory_space<vmem>>, %arg6: memref<2x5200x8xf32, #tpu.memory_space<vmem>>, %arg7: memref<!tpu.dma_semaphore, #tpu.memory_space<semaphore_mem>>, %arg8: memref<!tpu.dma_semaphore, #tpu.memory_space<semaphore_mem>>, %arg9: memref<!tpu.dma_semaphore, #tpu.memory_space<semaphore_mem>>, %arg10: memref<!tpu.dma_semaphore, #tpu.memory_space<semaphore_mem>>, %arg11: memref<!tpu.dma_semaphore, #tpu.memory_space<semaphore_mem>>) attributes {dimension_semantics = [#tpu.dimension_semantics<core_parallel>, #tpu.dimension_semantics<subcore_parallel>], iteration_bounds = array<i64: 2, 16>, scalar_prefetch = 0 : i64, scratch_operands = 7 : i64, tpu.core_type = #tpu.core_type<sc_vector_subcore>, window_params = [{transform_indices = #map}, {transform_indices = #map1}, {transform_indices = #map}]} {
    %mul3A = arith.constant 2 : i32
    %mul3A_0 = arith.muli %arg1, %mul3A : i32
    %add3A = arith.addi %mul3A_0, %arg0 : i32
    %mul3A_1 = arith.constant 41600 : i32
    %mul3A_2 = arith.muli %add3A, %mul3A_1 : i32
    %add3A_3 = arith.constant 0 : i32
    %add3A_4 = arith.addi %mul3A_2, %add3A_3 : i32
    %dma_start3A = arith.constant 0 : i32
    %dma_start3A_5 = arith.constant 0 : i32
    %dma_start3A_6 = tpu.memref_slice %arg5[%dma_start3A, %dma_start3A_5] : memref<2x5200xi32, #tpu.memory_space<vmem>> -> memref<1x5200xi32, #tpu.memory_space<vmem>>
    %dma_start3A_7 = tpu.memref_squeeze %dma_start3A_6 : memref<1x5200xi32, #tpu.memory_space<vmem>> -> memref<5200xi32, #tpu.memory_space<vmem>>
    %dma_start3A_8 = tpu.memref_slice %arg3[%add3A_4] : memref<1331200xi32, #tpu.memory_space<hbm>> -> memref<5200xi32, #tpu.memory_space<hbm>>
    %dma_start3A_9 = arith.constant 0 : i32
    %dma_start3A_10 = tpu.memref_slice %arg5[%dma_start3A, %dma_start3A_9] : memref<2x5200xi32, #tpu.memory_space<vmem>> -> memref<1x5200xi32, #tpu.memory_space<vmem>>
    %dma_start3A_11 = tpu.memref_squeeze %dma_start3A_10 : memref<1x5200xi32, #tpu.memory_space<vmem>> -> memref<5200xi32, #tpu.memory_space<vmem>>
    %dma_start3A_12 = tpu.memref_slice %arg3[%add3A_4] : memref<1331200xi32, #tpu.memory_space<hbm>> -> memref<5200xi32, #tpu.memory_space<hbm>>
    tpu.enqueue_dma source(%dma_start3A_12 : memref<5200xi32, #tpu.memory_space<hbm>>) target(%dma_start3A_11 : memref<5200xi32, #tpu.memory_space<vmem>>) target_semaphore(%arg7 : memref<!tpu.dma_semaphore, #tpu.memory_space<semaphore_mem>>)
    %add3A_13 = arith.constant 5200 : i32
    %add3A_14 = arith.addi %mul3A_2, %add3A_13 : i32
    %dma_start3A_15 = arith.constant 1 : i32
    %dma_start3A_16 = arith.constant 0 : i32
    %dma_start3A_17 = tpu.memref_slice %arg5[%dma_start3A_15, %dma_start3A_16] : memref<2x5200xi32, #tpu.memory_space<vmem>> -> memref<1x5200xi32, #tpu.memory_space<vmem>>
    %dma_start3A_18 = tpu.memref_squeeze %dma_start3A_17 : memref<1x5200xi32, #tpu.memory_space<vmem>> -> memref<5200xi32, #tpu.memory_space<vmem>>
    %dma_start3A_19 = tpu.memref_slice %arg3[%add3A_14] : memref<1331200xi32, #tpu.memory_space<hbm>> -> memref<5200xi32, #tpu.memory_space<hbm>>
    %dma_start3A_20 = arith.constant 0 : i32
    %dma_start3A_21 = tpu.memref_slice %arg5[%dma_start3A_15, %dma_start3A_20] : memref<2x5200xi32, #tpu.memory_space<vmem>> -> memref<1x5200xi32, #tpu.memory_space<vmem>>
    %dma_start3A_22 = tpu.memref_squeeze %dma_start3A_21 : memref<1x5200xi32, #tpu.memory_space<vmem>> -> memref<5200xi32, #tpu.memory_space<vmem>>
    %dma_start3A_23 = tpu.memref_slice %arg3[%add3A_14] : memref<1331200xi32, #tpu.memory_space<hbm>> -> memref<5200xi32, #tpu.memory_space<hbm>>
    tpu.enqueue_dma source(%dma_start3A_23 : memref<5200xi32, #tpu.memory_space<hbm>>) target(%dma_start3A_22 : memref<5200xi32, #tpu.memory_space<vmem>>) target_semaphore(%arg8 : memref<!tpu.dma_semaphore, #tpu.memory_space<semaphore_mem>>)
    %add3A_24 = arith.constant 0 : i32
    %add3A_25 = arith.addi %mul3A_2, %add3A_24 : i32
    %dma_wait3A = arith.constant 0 : i32
    %dma_wait3A_26 = arith.constant 0 : i32
    %dma_wait3A_27 = tpu.memref_slice %arg5[%dma_wait3A, %dma_wait3A_26] : memref<2x5200xi32, #tpu.memory_space<vmem>> -> memref<1x5200xi32, #tpu.memory_space<vmem>>
    %dma_wait3A_28 = tpu.memref_squeeze %dma_wait3A_27 : memref<1x5200xi32, #tpu.memory_space<vmem>> -> memref<5200xi32, #tpu.memory_space<vmem>>
    %dma_wait3A_29 = tpu.memref_slice %arg3[%add3A_25] : memref<1331200xi32, #tpu.memory_space<hbm>> -> memref<5200xi32, #tpu.memory_space<hbm>>
    %dma_wait3A_30 = arith.constant 0 : i32
    %dma_wait3A_31 = tpu.memref_slice %arg5[%dma_wait3A, %dma_wait3A_30] : memref<2x5200xi32, #tpu.memory_space<vmem>> -> memref<1x5200xi32, #tpu.memory_space<vmem>>
    %dma_wait3A_32 = tpu.memref_squeeze %dma_wait3A_31 : memref<1x5200xi32, #tpu.memory_space<vmem>> -> memref<5200xi32, #tpu.memory_space<vmem>>
    %dma_wait3A_33 = tpu.memref_slice %arg3[%add3A_25] : memref<1331200xi32, #tpu.memory_space<hbm>> -> memref<5200xi32, #tpu.memory_space<hbm>>
    tpu.wait_dma2 semaphore(%arg7 : memref<!tpu.dma_semaphore, #tpu.memory_space<semaphore_mem>>) src(%dma_wait3A_33 : memref<5200xi32, #tpu.memory_space<hbm>>) dst(%dma_wait3A_32 : memref<5200xi32, #tpu.memory_space<vmem>>)
    %dma_start3A_34 = arith.constant 0 : i32
    %dma_start3A_35 = arith.constant 0 : i32
    %dma_start3A_36 = arith.constant 0 : i32
    %dma_start3A_37 = arith.constant 0 : i32
    %dma_start3A_38 = tpu.memref_slice %arg6[%dma_start3A_35, %dma_start3A_36, %dma_start3A_37] : memref<2x5200x8xf32, #tpu.memory_space<vmem>> -> memref<1x5200x8xf32, #tpu.memory_space<vmem>>
    %dma_start3A_39 = tpu.memref_squeeze %dma_start3A_38 : memref<1x5200x8xf32, #tpu.memory_space<vmem>> -> memref<5200x8xf32, #tpu.memory_space<vmem>>
    %dma_start3A_40 = arith.constant 0 : i32
    %dma_start3A_41 = tpu.memref_slice %arg5[%dma_start3A_34, %dma_start3A_40] : memref<2x5200xi32, #tpu.memory_space<vmem>> -> memref<1x5200xi32, #tpu.memory_space<vmem>>
    %dma_start3A_42 = tpu.memref_squeeze %dma_start3A_41 : memref<1x5200xi32, #tpu.memory_space<vmem>> -> memref<5200xi32, #tpu.memory_space<vmem>>
    %dma_start3A_43 = arith.constant 0 : i32
    %dma_start3A_44 = arith.constant 0 : i32
    %dma_start3A_45 = tpu.memref_slice %arg2[%dma_start3A_43, %dma_start3A_44] : memref<2626x8xf32, #tpu.memory_space<hbm>> -> memref<2626x8xf32, #tpu.memory_space<hbm>>
    tpu.enqueue_indirect_dma source(%dma_start3A_45 : memref<2626x8xf32, #tpu.memory_space<hbm>>) target(%dma_start3A_39 : memref<5200x8xf32, #tpu.memory_space<vmem>>) offsets(%dma_start3A_42 : memref<5200xi32, #tpu.memory_space<vmem>>) semaphore(%arg9 : memref<!tpu.dma_semaphore, #tpu.memory_space<semaphore_mem>>)
    %dma_wait3A_46 = arith.constant 0 : i32
    %dma_wait3A_47 = arith.constant 0 : i32
    %dma_wait3A_48 = arith.constant 0 : i32
    %dma_wait3A_49 = arith.constant 0 : i32
    %dma_wait3A_50 = tpu.memref_slice %arg6[%dma_wait3A_47, %dma_wait3A_48, %dma_wait3A_49] : memref<2x5200x8xf32, #tpu.memory_space<vmem>> -> memref<1x5200x8xf32, #tpu.memory_space<vmem>>
    %dma_wait3A_51 = tpu.memref_squeeze %dma_wait3A_50 : memref<1x5200x8xf32, #tpu.memory_space<vmem>> -> memref<5200x8xf32, #tpu.memory_space<vmem>>
    %dma_wait3A_52 = arith.constant 0 : i32
    %dma_wait3A_53 = tpu.memref_slice %arg5[%dma_wait3A_46, %dma_wait3A_52] : memref<2x5200xi32, #tpu.memory_space<vmem>> -> memref<1x5200xi32, #tpu.memory_space<vmem>>
    %dma_wait3A_54 = tpu.memref_squeeze %dma_wait3A_53 : memref<1x5200xi32, #tpu.memory_space<vmem>> -> memref<5200xi32, #tpu.memory_space<vmem>>
    %dma_wait3A_55 = arith.constant 0 : i32
    %dma_wait3A_56 = arith.constant 0 : i32
    %dma_wait3A_57 = tpu.memref_slice %arg2[%dma_wait3A_55, %dma_wait3A_56] : memref<2626x8xf32, #tpu.memory_space<hbm>> -> memref<2626x8xf32, #tpu.memory_space<hbm>>
    tpu.wait_indirect_dma semaphore(%arg9 : memref<!tpu.dma_semaphore, #tpu.memory_space<semaphore_mem>>) src(%dma_wait3A_57 : memref<2626x8xf32, #tpu.memory_space<hbm>>) dst(%dma_wait3A_51 : memref<5200x8xf32, #tpu.memory_space<vmem>>)
    %add3A_58 = arith.constant 0 : i32
    %add3A_59 = arith.addi %mul3A_2, %add3A_58 : i32
    %dma_start3A_60 = arith.constant 0 : i32
    %dma_start3A_61 = arith.constant 0 : i32
    %dma_start3A_62 = arith.constant 0 : i32
    %dma_start3A_63 = tpu.memref_slice %arg6[%dma_start3A_60, %dma_start3A_61, %dma_start3A_62] : memref<2x5200x8xf32, #tpu.memory_space<vmem>> -> memref<1x5200x8xf32, #tpu.memory_space<vmem>>
    %dma_start3A_64 = tpu.memref_squeeze %dma_start3A_63 : memref<1x5200x8xf32, #tpu.memory_space<vmem>> -> memref<5200x8xf32, #tpu.memory_space<vmem>>
    %dma_start3A_65 = arith.constant 0 : i32
    %dma_start3A_66 = tpu.memref_slice %arg4[%add3A_59, %dma_start3A_65] : memref<1331200x8xf32, #tpu.memory_space<hbm>> -> memref<5200x8xf32, #tpu.memory_space<hbm>>
    %dma_start3A_67 = arith.constant 0 : i32
    %dma_start3A_68 = tpu.memref_slice %arg4[%add3A_59, %dma_start3A_67] : memref<1331200x8xf32, #tpu.memory_space<hbm>> -> memref<5200x8xf32, #tpu.memory_space<hbm>>
    %dma_start3A_69 = arith.constant 0 : i32
    %dma_start3A_70 = arith.constant 0 : i32
    %dma_start3A_71 = tpu.memref_slice %arg6[%dma_start3A_60, %dma_start3A_69, %dma_start3A_70] : memref<2x5200x8xf32, #tpu.memory_space<vmem>> -> memref<1x5200x8xf32, #tpu.memory_space<vmem>>
    %dma_start3A_72 = tpu.memref_squeeze %dma_start3A_71 : memref<1x5200x8xf32, #tpu.memory_space<vmem>> -> memref<5200x8xf32, #tpu.memory_space<vmem>>
    tpu.enqueue_dma source(%dma_start3A_72 : memref<5200x8xf32, #tpu.memory_space<vmem>>) target(%dma_start3A_68 : memref<5200x8xf32, #tpu.memory_space<hbm>>) target_semaphore(%arg10 : memref<!tpu.dma_semaphore, #tpu.memory_space<semaphore_mem>>)
    %add3A_73 = arith.constant 10400 : i32
    %add3A_74 = arith.addi %mul3A_2, %add3A_73 : i32
    %dma_start3A_75 = arith.constant 0 : i32
    %dma_start3A_76 = arith.constant 0 : i32
    %dma_start3A_77 = tpu.memref_slice %arg5[%dma_start3A_75, %dma_start3A_76] : memref<2x5200xi32, #tpu.memory_space<vmem>> -> memref<1x5200xi32, #tpu.memory_space<vmem>>
    %dma_start3A_78 = tpu.memref_squeeze %dma_start3A_77 : memref<1x5200xi32, #tpu.memory_space<vmem>> -> memref<5200xi32, #tpu.memory_space<vmem>>
    %dma_start3A_79 = tpu.memref_slice %arg3[%add3A_74] : memref<1331200xi32, #tpu.memory_space<hbm>> -> memref<5200xi32, #tpu.memory_space<hbm>>
    %dma_start3A_80 = arith.constant 0 : i32
    %dma_start3A_81 = tpu.memref_slice %arg5[%dma_start3A_75, %dma_start3A_80] : memref<2x5200xi32, #tpu.memory_space<vmem>> -> memref<1x5200xi32, #tpu.memory_space<vmem>>
    %dma_start3A_82 = tpu.memref_squeeze %dma_start3A_81 : memref<1x5200xi32, #tpu.memory_space<vmem>> -> memref<5200xi32, #tpu.memory_space<vmem>>
    %dma_start3A_83 = tpu.memref_slice %arg3[%add3A_74] : memref<1331200xi32, #tpu.memory_space<hbm>> -> memref<5200xi32, #tpu.memory_space<hbm>>
    tpu.enqueue_dma source(%dma_start3A_83 : memref<5200xi32, #tpu.memory_space<hbm>>) target(%dma_start3A_82 : memref<5200xi32, #tpu.memory_space<vmem>>) target_semaphore(%arg7 : memref<!tpu.dma_semaphore, #tpu.memory_space<semaphore_mem>>)
    %add3A_84 = arith.constant 5200 : i32
    %add3A_85 = arith.addi %mul3A_2, %add3A_84 : i32
    %dma_wait3A_86 = arith.constant 1 : i32
    %dma_wait3A_87 = arith.constant 0 : i32
    %dma_wait3A_88 = tpu.memref_slice %arg5[%dma_wait3A_86, %dma_wait3A_87] : memref<2x5200xi32, #tpu.memory_space<vmem>> -> memref<1x5200xi32, #tpu.memory_space<vmem>>
    %dma_wait3A_89 = tpu.memref_squeeze %dma_wait3A_88 : memref<1x5200xi32, #tpu.memory_space<vmem>> -> memref<5200xi32, #tpu.memory_space<vmem>>
    %dma_wait3A_90 = tpu.memref_slice %arg3[%add3A_85] : memref<1331200xi32, #tpu.memory_space<hbm>> -> memref<5200xi32, #tpu.memory_space<hbm>>
    %dma_wait3A_91 = arith.constant 0 : i32
    %dma_wait3A_92 = tpu.memref_slice %arg5[%dma_wait3A_86, %dma_wait3A_91] : memref<2x5200xi32, #tpu.memory_space<vmem>> -> memref<1x5200xi32, #tpu.memory_space<vmem>>
    %dma_wait3A_93 = tpu.memref_squeeze %dma_wait3A_92 : memref<1x5200xi32, #tpu.memory_space<vmem>> -> memref<5200xi32, #tpu.memory_space<vmem>>
    %dma_wait3A_94 = tpu.memref_slice %arg3[%add3A_85] : memref<1331200xi32, #tpu.memory_space<hbm>> -> memref<5200xi32, #tpu.memory_space<hbm>>
    tpu.wait_dma2 semaphore(%arg8 : memref<!tpu.dma_semaphore, #tpu.memory_space<semaphore_mem>>) src(%dma_wait3A_94 : memref<5200xi32, #tpu.memory_space<hbm>>) dst(%dma_wait3A_93 : memref<5200xi32, #tpu.memory_space<vmem>>)
    %dma_start3A_95 = arith.constant 1 : i32
    %dma_start3A_96 = arith.constant 1 : i32
    %dma_start3A_97 = arith.constant 0 : i32
    %dma_start3A_98 = arith.constant 0 : i32
    %dma_start3A_99 = tpu.memref_slice %arg6[%dma_start3A_96, %dma_start3A_97, %dma_start3A_98] : memref<2x5200x8xf32, #tpu.memory_space<vmem>> -> memref<1x5200x8xf32, #tpu.memory_space<vmem>>
    %dma_start3A_100 = tpu.memref_squeeze %dma_start3A_99 : memref<1x5200x8xf32, #tpu.memory_space<vmem>> -> memref<5200x8xf32, #tpu.memory_space<vmem>>
    %dma_start3A_101 = arith.constant 0 : i32
    %dma_start3A_102 = tpu.memref_slice %arg5[%dma_start3A_95, %dma_start3A_101] : memref<2x5200xi32, #tpu.memory_space<vmem>> -> memref<1x5200xi32, #tpu.memory_space<vmem>>
    %dma_start3A_103 = tpu.memref_squeeze %dma_start3A_102 : memref<1x5200xi32, #tpu.memory_space<vmem>> -> memref<5200xi32, #tpu.memory_space<vmem>>
    %dma_start3A_104 = arith.constant 0 : i32
    %dma_start3A_105 = arith.constant 0 : i32
    %dma_start3A_106 = tpu.memref_slice %arg2[%dma_start3A_104, %dma_start3A_105] : memref<2626x8xf32, #tpu.memory_space<hbm>> -> memref<2626x8xf32, #tpu.memory_space<hbm>>
    tpu.enqueue_indirect_dma source(%dma_start3A_106 : memref<2626x8xf32, #tpu.memory_space<hbm>>) target(%dma_start3A_100 : memref<5200x8xf32, #tpu.memory_space<vmem>>) offsets(%dma_start3A_103 : memref<5200xi32, #tpu.memory_space<vmem>>) semaphore(%arg9 : memref<!tpu.dma_semaphore, #tpu.memory_space<semaphore_mem>>)
    %dma_wait3A_107 = arith.constant 1 : i32
    %dma_wait3A_108 = arith.constant 1 : i32
    %dma_wait3A_109 = arith.constant 0 : i32
    %dma_wait3A_110 = arith.constant 0 : i32
    %dma_wait3A_111 = tpu.memref_slice %arg6[%dma_wait3A_108, %dma_wait3A_109, %dma_wait3A_110] : memref<2x5200x8xf32, #tpu.memory_space<vmem>> -> memref<1x5200x8xf32, #tpu.memory_space<vmem>>
    %dma_wait3A_112 = tpu.memref_squeeze %dma_wait3A_111 : memref<1x5200x8xf32, #tpu.memory_space<vmem>> -> memref<5200x8xf32, #tpu.memory_space<vmem>>
    %dma_wait3A_113 = arith.constant 0 : i32
    %dma_wait3A_114 = tpu.memref_slice %arg5[%dma_wait3A_107, %dma_wait3A_113] : memref<2x5200xi32, #tpu.memory_space<vmem>> -> memref<1x5200xi32, #tpu.memory_space<vmem>>
    %dma_wait3A_115 = tpu.memref_squeeze %dma_wait3A_114 : memref<1x5200xi32, #tpu.memory_space<vmem>> -> memref<5200xi32, #tpu.memory_space<vmem>>
    %dma_wait3A_116 = arith.constant 0 : i32
    %dma_wait3A_117 = arith.constant 0 : i32
    %dma_wait3A_118 = tpu.memref_slice %arg2[%dma_wait3A_116, %dma_wait3A_117] : memref<2626x8xf32, #tpu.memory_space<hbm>> -> memref<2626x8xf32, #tpu.memory_space<hbm>>
    tpu.wait_indirect_dma semaphore(%arg9 : memref<!tpu.dma_semaphore, #tpu.memory_space<semaphore_mem>>) src(%dma_wait3A_118 : memref<2626x8xf32, #tpu.memory_space<hbm>>) dst(%dma_wait3A_112 : memref<5200x8xf32, #tpu.memory_space<vmem>>)
    %add3A_119 = arith.constant 5200 : i32
    %add3A_120 = arith.addi %mul3A_2, %add3A_119 : i32
    %dma_start3A_121 = arith.constant 1 : i32
    %dma_start3A_122 = arith.constant 0 : i32
    %dma_start3A_123 = arith.constant 0 : i32
    %dma_start3A_124 = tpu.memref_slice %arg6[%dma_start3A_121, %dma_start3A_122, %dma_start3A_123] : memref<2x5200x8xf32, #tpu.memory_space<vmem>> -> memref<1x5200x8xf32, #tpu.memory_space<vmem>>
    %dma_start3A_125 = tpu.memref_squeeze %dma_start3A_124 : memref<1x5200x8xf32, #tpu.memory_space<vmem>> -> memref<5200x8xf32, #tpu.memory_space<vmem>>
    %dma_start3A_126 = arith.constant 0 : i32
    %dma_start3A_127 = tpu.memref_slice %arg4[%add3A_120, %dma_start3A_126] : memref<1331200x8xf32, #tpu.memory_space<hbm>> -> memref<5200x8xf32, #tpu.memory_space<hbm>>
    %dma_start3A_128 = arith.constant 0 : i32
    %dma_start3A_129 = tpu.memref_slice %arg4[%add3A_120, %dma_start3A_128] : memref<1331200x8xf32, #tpu.memory_space<hbm>> -> memref<5200x8xf32, #tpu.memory_space<hbm>>
    %dma_start3A_130 = arith.constant 0 : i32
    %dma_start3A_131 = arith.constant 0 : i32
    %dma_start3A_132 = tpu.memref_slice %arg6[%dma_start3A_121, %dma_start3A_130, %dma_start3A_131] : memref<2x5200x8xf32, #tpu.memory_space<vmem>> -> memref<1x5200x8xf32, #tpu.memory_space<vmem>>
    %dma_start3A_133 = tpu.memref_squeeze %dma_start3A_132 : memref<1x5200x8xf32, #tpu.memory_space<vmem>> -> memref<5200x8xf32, #tpu.memory_space<vmem>>
    tpu.enqueue_dma source(%dma_start3A_133 : memref<5200x8xf32, #tpu.memory_space<vmem>>) target(%dma_start3A_129 : memref<5200x8xf32, #tpu.memory_space<hbm>>) target_semaphore(%arg11 : memref<!tpu.dma_semaphore, #tpu.memory_space<semaphore_mem>>)
    %add3A_134 = arith.constant 15600 : i32
    %add3A_135 = arith.addi %mul3A_2, %add3A_134 : i32
    %dma_start3A_136 = arith.constant 1 : i32
    %dma_start3A_137 = arith.constant 0 : i32
    %dma_start3A_138 = tpu.memref_slice %arg5[%dma_start3A_136, %dma_start3A_137] : memref<2x5200xi32, #tpu.memory_space<vmem>> -> memref<1x5200xi32, #tpu.memory_space<vmem>>
    %dma_start3A_139 = tpu.memref_squeeze %dma_start3A_138 : memref<1x5200xi32, #tpu.memory_space<vmem>> -> memref<5200xi32, #tpu.memory_space<vmem>>
    %dma_start3A_140 = tpu.memref_slice %arg3[%add3A_135] : memref<1331200xi32, #tpu.memory_space<hbm>> -> memref<5200xi32, #tpu.memory_space<hbm>>
    %dma_start3A_141 = arith.constant 0 : i32
    %dma_start3A_142 = tpu.memref_slice %arg5[%dma_start3A_136, %dma_start3A_141] : memref<2x5200xi32, #tpu.memory_space<vmem>> -> memref<1x5200xi32, #tpu.memory_space<vmem>>
    %dma_start3A_143 = tpu.memref_squeeze %dma_start3A_142 : memref<1x5200xi32, #tpu.memory_space<vmem>> -> memref<5200xi32, #tpu.memory_space<vmem>>
    %dma_start3A_144 = tpu.memref_slice %arg3[%add3A_135] : memref<1331200xi32, #tpu.memory_space<hbm>> -> memref<5200xi32, #tpu.memory_space<hbm>>
    tpu.enqueue_dma source(%dma_start3A_144 : memref<5200xi32, #tpu.memory_space<hbm>>) target(%dma_start3A_143 : memref<5200xi32, #tpu.memory_space<vmem>>) target_semaphore(%arg8 : memref<!tpu.dma_semaphore, #tpu.memory_space<semaphore_mem>>)
    %add3A_145 = arith.constant 10400 : i32
    %add3A_146 = arith.addi %mul3A_2, %add3A_145 : i32
    %dma_wait3A_147 = arith.constant 0 : i32
    %dma_wait3A_148 = arith.constant 0 : i32
    %dma_wait3A_149 = tpu.memref_slice %arg5[%dma_wait3A_147, %dma_wait3A_148] : memref<2x5200xi32, #tpu.memory_space<vmem>> -> memref<1x5200xi32, #tpu.memory_space<vmem>>
    %dma_wait3A_150 = tpu.memref_squeeze %dma_wait3A_149 : memref<1x5200xi32, #tpu.memory_space<vmem>> -> memref<5200xi32, #tpu.memory_space<vmem>>
    %dma_wait3A_151 = tpu.memref_slice %arg3[%add3A_146] : memref<1331200xi32, #tpu.memory_space<hbm>> -> memref<5200xi32, #tpu.memory_space<hbm>>
    %dma_wait3A_152 = arith.constant 0 : i32
    %dma_wait3A_153 = tpu.memref_slice %arg5[%dma_wait3A_147, %dma_wait3A_152] : memref<2x5200xi32, #tpu.memory_space<vmem>> -> memref<1x5200xi32, #tpu.memory_space<vmem>>
    %dma_wait3A_154 = tpu.memref_squeeze %dma_wait3A_153 : memref<1x5200xi32, #tpu.memory_space<vmem>> -> memref<5200xi32, #tpu.memory_space<vmem>>
    %dma_wait3A_155 = tpu.memref_slice %arg3[%add3A_146] : memref<1331200xi32, #tpu.memory_space<hbm>> -> memref<5200xi32, #tpu.memory_space<hbm>>
    tpu.wait_dma2 semaphore(%arg7 : memref<!tpu.dma_semaphore, #tpu.memory_space<semaphore_mem>>) src(%dma_wait3A_155 : memref<5200xi32, #tpu.memory_space<hbm>>) dst(%dma_wait3A_154 : memref<5200xi32, #tpu.memory_space<vmem>>)
    %add3A_156 = arith.constant 0 : i32
    %add3A_157 = arith.addi %mul3A_2, %add3A_156 : i32
    %dma_wait3A_158 = arith.constant 0 : i32
    %dma_wait3A_159 = arith.constant 0 : i32
    %dma_wait3A_160 = arith.constant 0 : i32
    %dma_wait3A_161 = tpu.memref_slice %arg6[%dma_wait3A_158, %dma_wait3A_159, %dma_wait3A_160] : memref<2x5200x8xf32, #tpu.memory_space<vmem>> -> memref<1x5200x8xf32, #tpu.memory_space<vmem>>
    %dma_wait3A_162 = tpu.memref_squeeze %dma_wait3A_161 : memref<1x5200x8xf32, #tpu.memory_space<vmem>> -> memref<5200x8xf32, #tpu.memory_space<vmem>>
    %dma_wait3A_163 = arith.constant 0 : i32
    %dma_wait3A_164 = tpu.memref_slice %arg4[%add3A_157, %dma_wait3A_163] : memref<1331200x8xf32, #tpu.memory_space<hbm>> -> memref<5200x8xf32, #tpu.memory_space<hbm>>
    %dma_wait3A_165 = arith.constant 0 : i32
    %dma_wait3A_166 = tpu.memref_slice %arg4[%add3A_157, %dma_wait3A_165] : memref<1331200x8xf32, #tpu.memory_space<hbm>> -> memref<5200x8xf32, #tpu.memory_space<hbm>>
    %dma_wait3A_167 = arith.constant 0 : i32
    %dma_wait3A_168 = arith.constant 0 : i32
    %dma_wait3A_169 = tpu.memref_slice %arg6[%dma_wait3A_158, %dma_wait3A_167, %dma_wait3A_168] : memref<2x5200x8xf32, #tpu.memory_space<vmem>> -> memref<1x5200x8xf32, #tpu.memory_space<vmem>>
    %dma_wait3A_170 = tpu.memref_squeeze %dma_wait3A_169 : memref<1x5200x8xf32, #tpu.memory_space<vmem>> -> memref<5200x8xf32, #tpu.memory_space<vmem>>
    tpu.wait_dma2 semaphore(%arg10 : memref<!tpu.dma_semaphore, #tpu.memory_space<semaphore_mem>>) src(%dma_wait3A_170 : memref<5200x8xf32, #tpu.memory_space<vmem>>) dst(%dma_wait3A_166 : memref<5200x8xf32, #tpu.memory_space<hbm>>)
    %dma_start3A_171 = arith.constant 0 : i32
    %dma_start3A_172 = arith.constant 0 : i32
    %dma_start3A_173 = arith.constant 0 : i32
    %dma_start3A_174 = arith.constant 0 : i32
    %dma_start3A_175 = tpu.memref_slice %arg6[%dma_start3A_172, %dma_start3A_173, %dma_start3A_174] : memref<2x5200x8xf32, #tpu.memory_space<vmem>> -> memref<1x5200x8xf32, #tpu.memory_space<vmem>>
    %dma_start3A_176 = tpu.memref_squeeze %dma_start3A_175 : memref<1x5200x8xf32, #tpu.memory_space<vmem>> -> memref<5200x8xf32, #tpu.memory_space<vmem>>
    %dma_start3A_177 = arith.constant 0 : i32
    %dma_start3A_178 = tpu.memref_slice %arg5[%dma_start3A_171, %dma_start3A_177] : memref<2x5200xi32, #tpu.memory_space<vmem>> -> memref<1x5200xi32, #tpu.memory_space<vmem>>
    %dma_start3A_179 = tpu.memref_squeeze %dma_start3A_178 : memref<1x5200xi32, #tpu.memory_space<vmem>> -> memref<5200xi32, #tpu.memory_space<vmem>>
    %dma_start3A_180 = arith.constant 0 : i32
    %dma_start3A_181 = arith.constant 0 : i32
    %dma_start3A_182 = tpu.memref_slice %arg2[%dma_start3A_180, %dma_start3A_181] : memref<2626x8xf32, #tpu.memory_space<hbm>> -> memref<2626x8xf32, #tpu.memory_space<hbm>>
    tpu.enqueue_indirect_dma source(%dma_start3A_182 : memref<2626x8xf32, #tpu.memory_space<hbm>>) target(%dma_start3A_176 : memref<5200x8xf32, #tpu.memory_space<vmem>>) offsets(%dma_start3A_179 : memref<5200xi32, #tpu.memory_space<vmem>>) semaphore(%arg9 : memref<!tpu.dma_semaphore, #tpu.memory_space<semaphore_mem>>)
    %dma_wait3A_183 = arith.constant 0 : i32
    %dma_wait3A_184 = arith.constant 0 : i32
    %dma_wait3A_185 = arith.constant 0 : i32
    %dma_wait3A_186 = arith.constant 0 : i32
    %dma_wait3A_187 = tpu.memref_slice %arg6[%dma_wait3A_184, %dma_wait3A_185, %dma_wait3A_186] : memref<2x5200x8xf32, #tpu.memory_space<vmem>> -> memref<1x5200x8xf32, #tpu.memory_space<vmem>>
    %dma_wait3A_188 = tpu.memref_squeeze %dma_wait3A_187 : memref<1x5200x8xf32, #tpu.memory_space<vmem>> -> memref<5200x8xf32, #tpu.memory_space<vmem>>
    %dma_wait3A_189 = arith.constant 0 : i32
    %dma_wait3A_190 = tpu.memref_slice %arg5[%dma_wait3A_183, %dma_wait3A_189] : memref<2x5200xi32, #tpu.memory_space<vmem>> -> memref<1x5200xi32, #tpu.memory_space<vmem>>
    %dma_wait3A_191 = tpu.memref_squeeze %dma_wait3A_190 : memref<1x5200xi32, #tpu.memory_space<vmem>> -> memref<5200xi32, #tpu.memory_space<vmem>>
    %dma_wait3A_192 = arith.constant 0 : i32
    %dma_wait3A_193 = arith.constant 0 : i32
    %dma_wait3A_194 = tpu.memref_slice %arg2[%dma_wait3A_192, %dma_wait3A_193] : memref<2626x8xf32, #tpu.memory_space<hbm>> -> memref<2626x8xf32, #tpu.memory_space<hbm>>
    tpu.wait_indirect_dma semaphore(%arg9 : memref<!tpu.dma_semaphore, #tpu.memory_space<semaphore_mem>>) src(%dma_wait3A_194 : memref<2626x8xf32, #tpu.memory_space<hbm>>) dst(%dma_wait3A_188 : memref<5200x8xf32, #tpu.memory_space<vmem>>)
    %add3A_195 = arith.constant 10400 : i32
    %add3A_196 = arith.addi %mul3A_2, %add3A_195 : i32
    %dma_start3A_197 = arith.constant 0 : i32
    %dma_start3A_198 = arith.constant 0 : i32
    %dma_start3A_199 = arith.constant 0 : i32
    %dma_start3A_200 = tpu.memref_slice %arg6[%dma_start3A_197, %dma_start3A_198, %dma_start3A_199] : memref<2x5200x8xf32, #tpu.memory_space<vmem>> -> memref<1x5200x8xf32, #tpu.memory_space<vmem>>
    %dma_start3A_201 = tpu.memref_squeeze %dma_start3A_200 : memref<1x5200x8xf32, #tpu.memory_space<vmem>> -> memref<5200x8xf32, #tpu.memory_space<vmem>>
    %dma_start3A_202 = arith.constant 0 : i32
    %dma_start3A_203 = tpu.memref_slice %arg4[%add3A_196, %dma_start3A_202] : memref<1331200x8xf32, #tpu.memory_space<hbm>> -> memref<5200x8xf32, #tpu.memory_space<hbm>>
    %dma_start3A_204 = arith.constant 0 : i32
    %dma_start3A_205 = tpu.memref_slice %arg4[%add3A_196, %dma_start3A_204] : memref<1331200x8xf32, #tpu.memory_space<hbm>> -> memref<5200x8xf32, #tpu.memory_space<hbm>>
    %dma_start3A_206 = arith.constant 0 : i32
    %dma_start3A_207 = arith.constant 0 : i32
    %dma_start3A_208 = tpu.memref_slice %arg6[%dma_start3A_197, %dma_start3A_206, %dma_start3A_207] : memref<2x5200x8xf32, #tpu.memory_space<vmem>> -> memref<1x5200x8xf32, #tpu.memory_space<vmem>>
    %dma_start3A_209 = tpu.memref_squeeze %dma_start3A_208 : memref<1x5200x8xf32, #tpu.memory_space<vmem>> -> memref<5200x8xf32, #tpu.memory_space<vmem>>
    tpu.enqueue_dma source(%dma_start3A_209 : memref<5200x8xf32, #tpu.memory_space<vmem>>) target(%dma_start3A_205 : memref<5200x8xf32, #tpu.memory_space<hbm>>) target_semaphore(%arg10 : memref<!tpu.dma_semaphore, #tpu.memory_space<semaphore_mem>>)
    %add3A_210 = arith.constant 20800 : i32
    %add3A_211 = arith.addi %mul3A_2, %add3A_210 : i32
    %dma_start3A_212 = arith.constant 0 : i32
    %dma_start3A_213 = arith.constant 0 : i32
    %dma_start3A_214 = tpu.memref_slice %arg5[%dma_start3A_212, %dma_start3A_213] : memref<2x5200xi32, #tpu.memory_space<vmem>> -> memref<1x5200xi32, #tpu.memory_space<vmem>>
    %dma_start3A_215 = tpu.memref_squeeze %dma_start3A_214 : memref<1x5200xi32, #tpu.memory_space<vmem>> -> memref<5200xi32, #tpu.memory_space<vmem>>
    %dma_start3A_216 = tpu.memref_slice %arg3[%add3A_211] : memref<1331200xi32, #tpu.memory_space<hbm>> -> memref<5200xi32, #tpu.memory_space<hbm>>
    %dma_start3A_217 = arith.constant 0 : i32
    %dma_start3A_218 = tpu.memref_slice %arg5[%dma_start3A_212, %dma_start3A_217] : memref<2x5200xi32, #tpu.memory_space<vmem>> -> memref<1x5200xi32, #tpu.memory_space<vmem>>
    %dma_start3A_219 = tpu.memref_squeeze %dma_start3A_218 : memref<1x5200xi32, #tpu.memory_space<vmem>> -> memref<5200xi32, #tpu.memory_space<vmem>>
    %dma_start3A_220 = tpu.memref_slice %arg3[%add3A_211] : memref<1331200xi32, #tpu.memory_space<hbm>> -> memref<5200xi32, #tpu.memory_space<hbm>>
    tpu.enqueue_dma source(%dma_start3A_220 : memref<5200xi32, #tpu.memory_space<hbm>>) target(%dma_start3A_219 : memref<5200xi32, #tpu.memory_space<vmem>>) target_semaphore(%arg7 : memref<!tpu.dma_semaphore, #tpu.memory_space<semaphore_mem>>)
    %add3A_221 = arith.constant 15600 : i32
    %add3A_222 = arith.addi %mul3A_2, %add3A_221 : i32
    %dma_wait3A_223 = arith.constant 1 : i32
    %dma_wait3A_224 = arith.constant 0 : i32
    %dma_wait3A_225 = tpu.memref_slice %arg5[%dma_wait3A_223, %dma_wait3A_224] : memref<2x5200xi32, #tpu.memory_space<vmem>> -> memref<1x5200xi32, #tpu.memory_space<vmem>>
    %dma_wait3A_226 = tpu.memref_squeeze %dma_wait3A_225 : memref<1x5200xi32, #tpu.memory_space<vmem>> -> memref<5200xi32, #tpu.memory_space<vmem>>
    %dma_wait3A_227 = tpu.memref_slice %arg3[%add3A_222] : memref<1331200xi32, #tpu.memory_space<hbm>> -> memref<5200xi32, #tpu.memory_space<hbm>>
    %dma_wait3A_228 = arith.constant 0 : i32
    %dma_wait3A_229 = tpu.memref_slice %arg5[%dma_wait3A_223, %dma_wait3A_228] : memref<2x5200xi32, #tpu.memory_space<vmem>> -> memref<1x5200xi32, #tpu.memory_space<vmem>>
    %dma_wait3A_230 = tpu.memref_squeeze %dma_wait3A_229 : memref<1x5200xi32, #tpu.memory_space<vmem>> -> memref<5200xi32, #tpu.memory_space<vmem>>
    %dma_wait3A_231 = tpu.memref_slice %arg3[%add3A_222] : memref<1331200xi32, #tpu.memory_space<hbm>> -> memref<5200xi32, #tpu.memory_space<hbm>>
    tpu.wait_dma2 semaphore(%arg8 : memref<!tpu.dma_semaphore, #tpu.memory_space<semaphore_mem>>) src(%dma_wait3A_231 : memref<5200xi32, #tpu.memory_space<hbm>>) dst(%dma_wait3A_230 : memref<5200xi32, #tpu.memory_space<vmem>>)
    %add3A_232 = arith.constant 5200 : i32
    %add3A_233 = arith.addi %mul3A_2, %add3A_232 : i32
    %dma_wait3A_234 = arith.constant 1 : i32
    %dma_wait3A_235 = arith.constant 0 : i32
    %dma_wait3A_236 = arith.constant 0 : i32
    %dma_wait3A_237 = tpu.memref_slice %arg6[%dma_wait3A_234, %dma_wait3A_235, %dma_wait3A_236] : memref<2x5200x8xf32, #tpu.memory_space<vmem>> -> memref<1x5200x8xf32, #tpu.memory_space<vmem>>
    %dma_wait3A_238 = tpu.memref_squeeze %dma_wait3A_237 : memref<1x5200x8xf32, #tpu.memory_space<vmem>> -> memref<5200x8xf32, #tpu.memory_space<vmem>>
    %dma_wait3A_239 = arith.constant 0 : i32
    %dma_wait3A_240 = tpu.memref_slice %arg4[%add3A_233, %dma_wait3A_239] : memref<1331200x8xf32, #tpu.memory_space<hbm>> -> memref<5200x8xf32, #tpu.memory_space<hbm>>
    %dma_wait3A_241 = arith.constant 0 : i32
    %dma_wait3A_242 = tpu.memref_slice %arg4[%add3A_233, %dma_wait3A_241] : memref<1331200x8xf32, #tpu.memory_space<hbm>> -> memref<5200x8xf32, #tpu.memory_space<hbm>>
    %dma_wait3A_243 = arith.constant 0 : i32
    %dma_wait3A_244 = arith.constant 0 : i32
    %dma_wait3A_245 = tpu.memref_slice %arg6[%dma_wait3A_234, %dma_wait3A_243, %dma_wait3A_244] : memref<2x5200x8xf32, #tpu.memory_space<vmem>> -> memref<1x5200x8xf32, #tpu.memory_space<vmem>>
    %dma_wait3A_246 = tpu.memref_squeeze %dma_wait3A_245 : memref<1x5200x8xf32, #tpu.memory_space<vmem>> -> memref<5200x8xf32, #tpu.memory_space<vmem>>
    tpu.wait_dma2 semaphore(%arg11 : memref<!tpu.dma_semaphore, #tpu.memory_space<semaphore_mem>>) src(%dma_wait3A_246 : memref<5200x8xf32, #tpu.memory_space<vmem>>) dst(%dma_wait3A_242 : memref<5200x8xf32, #tpu.memory_space<hbm>>)
    %dma_start3A_247 = arith.constant 1 : i32
    %dma_start3A_248 = arith.constant 1 : i32
    %dma_start3A_249 = arith.constant 0 : i32
    %dma_start3A_250 = arith.constant 0 : i32
    %dma_start3A_251 = tpu.memref_slice %arg6[%dma_start3A_248, %dma_start3A_249, %dma_start3A_250] : memref<2x5200x8xf32, #tpu.memory_space<vmem>> -> memref<1x5200x8xf32, #tpu.memory_space<vmem>>
    %dma_start3A_252 = tpu.memref_squeeze %dma_start3A_251 : memref<1x5200x8xf32, #tpu.memory_space<vmem>> -> memref<5200x8xf32, #tpu.memory_space<vmem>>
    %dma_start3A_253 = arith.constant 0 : i32
    %dma_start3A_254 = tpu.memref_slice %arg5[%dma_start3A_247, %dma_start3A_253] : memref<2x5200xi32, #tpu.memory_space<vmem>> -> memref<1x5200xi32, #tpu.memory_space<vmem>>
    %dma_start3A_255 = tpu.memref_squeeze %dma_start3A_254 : memref<1x5200xi32, #tpu.memory_space<vmem>> -> memref<5200xi32, #tpu.memory_space<vmem>>
    %dma_start3A_256 = arith.constant 0 : i32
    %dma_start3A_257 = arith.constant 0 : i32
    %dma_start3A_258 = tpu.memref_slice %arg2[%dma_start3A_256, %dma_start3A_257] : memref<2626x8xf32, #tpu.memory_space<hbm>> -> memref<2626x8xf32, #tpu.memory_space<hbm>>
    tpu.enqueue_indirect_dma source(%dma_start3A_258 : memref<2626x8xf32, #tpu.memory_space<hbm>>) target(%dma_start3A_252 : memref<5200x8xf32, #tpu.memory_space<vmem>>) offsets(%dma_start3A_255 : memref<5200xi32, #tpu.memory_space<vmem>>) semaphore(%arg9 : memref<!tpu.dma_semaphore, #tpu.memory_space<semaphore_mem>>)
    %dma_wait3A_259 = arith.constant 1 : i32
    %dma_wait3A_260 = arith.constant 1 : i32
    %dma_wait3A_261 = arith.constant 0 : i32
    %dma_wait3A_262 = arith.constant 0 : i32
    %dma_wait3A_263 = tpu.memref_slice %arg6[%dma_wait3A_260, %dma_wait3A_261, %dma_wait3A_262] : memref<2x5200x8xf32, #tpu.memory_space<vmem>> -> memref<1x5200x8xf32, #tpu.memory_space<vmem>>
    %dma_wait3A_264 = tpu.memref_squeeze %dma_wait3A_263 : memref<1x5200x8xf32, #tpu.memory_space<vmem>> -> memref<5200x8xf32, #tpu.memory_space<vmem>>
    %dma_wait3A_265 = arith.constant 0 : i32
    %dma_wait3A_266 = tpu.memref_slice %arg5[%dma_wait3A_259, %dma_wait3A_265] : memref<2x5200xi32, #tpu.memory_space<vmem>> -> memref<1x5200xi32, #tpu.memory_space<vmem>>
    %dma_wait3A_267 = tpu.memref_squeeze %dma_wait3A_266 : memref<1x5200xi32, #tpu.memory_space<vmem>> -> memref<5200xi32, #tpu.memory_space<vmem>>
    %dma_wait3A_268 = arith.constant 0 : i32
    %dma_wait3A_269 = arith.constant 0 : i32
    %dma_wait3A_270 = tpu.memref_slice %arg2[%dma_wait3A_268, %dma_wait3A_269] : memref<2626x8xf32, #tpu.memory_space<hbm>> -> memref<2626x8xf32, #tpu.memory_space<hbm>>
    tpu.wait_indirect_dma semaphore(%arg9 : memref<!tpu.dma_semaphore, #tpu.memory_space<semaphore_mem>>) src(%dma_wait3A_270 : memref<2626x8xf32, #tpu.memory_space<hbm>>) dst(%dma_wait3A_264 : memref<5200x8xf32, #tpu.memory_space<vmem>>)
    %add3A_271 = arith.constant 15600 : i32
    %add3A_272 = arith.addi %mul3A_2, %add3A_271 : i32
    %dma_start3A_273 = arith.constant 1 : i32
    %dma_start3A_274 = arith.constant 0 : i32
    %dma_start3A_275 = arith.constant 0 : i32
    %dma_start3A_276 = tpu.memref_slice %arg6[%dma_start3A_273, %dma_start3A_274, %dma_start3A_275] : memref<2x5200x8xf32, #tpu.memory_space<vmem>> -> memref<1x5200x8xf32, #tpu.memory_space<vmem>>
    %dma_start3A_277 = tpu.memref_squeeze %dma_start3A_276 : memref<1x5200x8xf32, #tpu.memory_space<vmem>> -> memref<5200x8xf32, #tpu.memory_space<vmem>>
    %dma_start3A_278 = arith.constant 0 : i32
    %dma_start3A_279 = tpu.memref_slice %arg4[%add3A_272, %dma_start3A_278] : memref<1331200x8xf32, #tpu.memory_space<hbm>> -> memref<5200x8xf32, #tpu.memory_space<hbm>>
    %dma_start3A_280 = arith.constant 0 : i32
    %dma_start3A_281 = tpu.memref_slice %arg4[%add3A_272, %dma_start3A_280] : memref<1331200x8xf32, #tpu.memory_space<hbm>> -> memref<5200x8xf32, #tpu.memory_space<hbm>>
    %dma_start3A_282 = arith.constant 0 : i32
    %dma_start3A_283 = arith.constant 0 : i32
    %dma_start3A_284 = tpu.memref_slice %arg6[%dma_start3A_273, %dma_start3A_282, %dma_start3A_283] : memref<2x5200x8xf32, #tpu.memory_space<vmem>> -> memref<1x5200x8xf32, #tpu.memory_space<vmem>>
    %dma_start3A_285 = tpu.memref_squeeze %dma_start3A_284 : memref<1x5200x8xf32, #tpu.memory_space<vmem>> -> memref<5200x8xf32, #tpu.memory_space<vmem>>
    tpu.enqueue_dma source(%dma_start3A_285 : memref<5200x8xf32, #tpu.memory_space<vmem>>) target(%dma_start3A_281 : memref<5200x8xf32, #tpu.memory_space<hbm>>) target_semaphore(%arg11 : memref<!tpu.dma_semaphore, #tpu.memory_space<semaphore_mem>>)
    %add3A_286 = arith.constant 26000 : i32
    %add3A_287 = arith.addi %mul3A_2, %add3A_286 : i32
    %dma_start3A_288 = arith.constant 1 : i32
    %dma_start3A_289 = arith.constant 0 : i32
    %dma_start3A_290 = tpu.memref_slice %arg5[%dma_start3A_288, %dma_start3A_289] : memref<2x5200xi32, #tpu.memory_space<vmem>> -> memref<1x5200xi32, #tpu.memory_space<vmem>>
    %dma_start3A_291 = tpu.memref_squeeze %dma_start3A_290 : memref<1x5200xi32, #tpu.memory_space<vmem>> -> memref<5200xi32, #tpu.memory_space<vmem>>
    %dma_start3A_292 = tpu.memref_slice %arg3[%add3A_287] : memref<1331200xi32, #tpu.memory_space<hbm>> -> memref<5200xi32, #tpu.memory_space<hbm>>
    %dma_start3A_293 = arith.constant 0 : i32
    %dma_start3A_294 = tpu.memref_slice %arg5[%dma_start3A_288, %dma_start3A_293] : memref<2x5200xi32, #tpu.memory_space<vmem>> -> memref<1x5200xi32, #tpu.memory_space<vmem>>
    %dma_start3A_295 = tpu.memref_squeeze %dma_start3A_294 : memref<1x5200xi32, #tpu.memory_space<vmem>> -> memref<5200xi32, #tpu.memory_space<vmem>>
    %dma_start3A_296 = tpu.memref_slice %arg3[%add3A_287] : memref<1331200xi32, #tpu.memory_space<hbm>> -> memref<5200xi32, #tpu.memory_space<hbm>>
    tpu.enqueue_dma source(%dma_start3A_296 : memref<5200xi32, #tpu.memory_space<hbm>>) target(%dma_start3A_295 : memref<5200xi32, #tpu.memory_space<vmem>>) target_semaphore(%arg8 : memref<!tpu.dma_semaphore, #tpu.memory_space<semaphore_mem>>)
    %add3A_297 = arith.constant 20800 : i32
    %add3A_298 = arith.addi %mul3A_2, %add3A_297 : i32
    %dma_wait3A_299 = arith.constant 0 : i32
    %dma_wait3A_300 = arith.constant 0 : i32
    %dma_wait3A_301 = tpu.memref_slice %arg5[%dma_wait3A_299, %dma_wait3A_300] : memref<2x5200xi32, #tpu.memory_space<vmem>> -> memref<1x5200xi32, #tpu.memory_space<vmem>>
    %dma_wait3A_302 = tpu.memref_squeeze %dma_wait3A_301 : memref<1x5200xi32, #tpu.memory_space<vmem>> -> memref<5200xi32, #tpu.memory_space<vmem>>
    %dma_wait3A_303 = tpu.memref_slice %arg3[%add3A_298] : memref<1331200xi32, #tpu.memory_space<hbm>> -> memref<5200xi32, #tpu.memory_space<hbm>>
    %dma_wait3A_304 = arith.constant 0 : i32
    %dma_wait3A_305 = tpu.memref_slice %arg5[%dma_wait3A_299, %dma_wait3A_304] : memref<2x5200xi32, #tpu.memory_space<vmem>> -> memref<1x5200xi32, #tpu.memory_space<vmem>>
    %dma_wait3A_306 = tpu.memref_squeeze %dma_wait3A_305 : memref<1x5200xi32, #tpu.memory_space<vmem>> -> memref<5200xi32, #tpu.memory_space<vmem>>
    %dma_wait3A_307 = tpu.memref_slice %arg3[%add3A_298] : memref<1331200xi32, #tpu.memory_space<hbm>> -> memref<5200xi32, #tpu.memory_space<hbm>>
    tpu.wait_dma2 semaphore(%arg7 : memref<!tpu.dma_semaphore, #tpu.memory_space<semaphore_mem>>) src(%dma_wait3A_307 : memref<5200xi32, #tpu.memory_space<hbm>>) dst(%dma_wait3A_306 : memref<5200xi32, #tpu.memory_space<vmem>>)
    %add3A_308 = arith.constant 10400 : i32
    %add3A_309 = arith.addi %mul3A_2, %add3A_308 : i32
    %dma_wait3A_310 = arith.constant 0 : i32
    %dma_wait3A_311 = arith.constant 0 : i32
    %dma_wait3A_312 = arith.constant 0 : i32
    %dma_wait3A_313 = tpu.memref_slice %arg6[%dma_wait3A_310, %dma_wait3A_311, %dma_wait3A_312] : memref<2x5200x8xf32, #tpu.memory_space<vmem>> -> memref<1x5200x8xf32, #tpu.memory_space<vmem>>
    %dma_wait3A_314 = tpu.memref_squeeze %dma_wait3A_313 : memref<1x5200x8xf32, #tpu.memory_space<vmem>> -> memref<5200x8xf32, #tpu.memory_space<vmem>>
    %dma_wait3A_315 = arith.constant 0 : i32
    %dma_wait3A_316 = tpu.memref_slice %arg4[%add3A_309, %dma_wait3A_315] : memref<1331200x8xf32, #tpu.memory_space<hbm>> -> memref<5200x8xf32, #tpu.memory_space<hbm>>
    %dma_wait3A_317 = arith.constant 0 : i32
    %dma_wait3A_318 = tpu.memref_slice %arg4[%add3A_309, %dma_wait3A_317] : memref<1331200x8xf32, #tpu.memory_space<hbm>> -> memref<5200x8xf32, #tpu.memory_space<hbm>>
    %dma_wait3A_319 = arith.constant 0 : i32
    %dma_wait3A_320 = arith.constant 0 : i32
    %dma_wait3A_321 = tpu.memref_slice %arg6[%dma_wait3A_310, %dma_wait3A_319, %dma_wait3A_320] : memref<2x5200x8xf32, #tpu.memory_space<vmem>> -> memref<1x5200x8xf32, #tpu.memory_space<vmem>>
    %dma_wait3A_322 = tpu.memref_squeeze %dma_wait3A_321 : memref<1x5200x8xf32, #tpu.memory_space<vmem>> -> memref<5200x8xf32, #tpu.memory_space<vmem>>
    tpu.wait_dma2 semaphore(%arg10 : memref<!tpu.dma_semaphore, #tpu.memory_space<semaphore_mem>>) src(%dma_wait3A_322 : memref<5200x8xf32, #tpu.memory_space<vmem>>) dst(%dma_wait3A_318 : memref<5200x8xf32, #tpu.memory_space<hbm>>)
    %dma_start3A_323 = arith.constant 0 : i32
    %dma_start3A_324 = arith.constant 0 : i32
    %dma_start3A_325 = arith.constant 0 : i32
    %dma_start3A_326 = arith.constant 0 : i32
    %dma_start3A_327 = tpu.memref_slice %arg6[%dma_start3A_324, %dma_start3A_325, %dma_start3A_326] : memref<2x5200x8xf32, #tpu.memory_space<vmem>> -> memref<1x5200x8xf32, #tpu.memory_space<vmem>>
    %dma_start3A_328 = tpu.memref_squeeze %dma_start3A_327 : memref<1x5200x8xf32, #tpu.memory_space<vmem>> -> memref<5200x8xf32, #tpu.memory_space<vmem>>
    %dma_start3A_329 = arith.constant 0 : i32
    %dma_start3A_330 = tpu.memref_slice %arg5[%dma_start3A_323, %dma_start3A_329] : memref<2x5200xi32, #tpu.memory_space<vmem>> -> memref<1x5200xi32, #tpu.memory_space<vmem>>
    %dma_start3A_331 = tpu.memref_squeeze %dma_start3A_330 : memref<1x5200xi32, #tpu.memory_space<vmem>> -> memref<5200xi32, #tpu.memory_space<vmem>>
    %dma_start3A_332 = arith.constant 0 : i32
    %dma_start3A_333 = arith.constant 0 : i32
    %dma_start3A_334 = tpu.memref_slice %arg2[%dma_start3A_332, %dma_start3A_333] : memref<2626x8xf32, #tpu.memory_space<hbm>> -> memref<2626x8xf32, #tpu.memory_space<hbm>>
    tpu.enqueue_indirect_dma source(%dma_start3A_334 : memref<2626x8xf32, #tpu.memory_space<hbm>>) target(%dma_start3A_328 : memref<5200x8xf32, #tpu.memory_space<vmem>>) offsets(%dma_start3A_331 : memref<5200xi32, #tpu.memory_space<vmem>>) semaphore(%arg9 : memref<!tpu.dma_semaphore, #tpu.memory_space<semaphore_mem>>)
    %dma_wait3A_335 = arith.constant 0 : i32
    %dma_wait3A_336 = arith.constant 0 : i32
    %dma_wait3A_337 = arith.constant 0 : i32
    %dma_wait3A_338 = arith.constant 0 : i32
    %dma_wait3A_339 = tpu.memref_slice %arg6[%dma_wait3A_336, %dma_wait3A_337, %dma_wait3A_338] : memref<2x5200x8xf32, #tpu.memory_space<vmem>> -> memref<1x5200x8xf32, #tpu.memory_space<vmem>>
    %dma_wait3A_340 = tpu.memref_squeeze %dma_wait3A_339 : memref<1x5200x8xf32, #tpu.memory_space<vmem>> -> memref<5200x8xf32, #tpu.memory_space<vmem>>
    %dma_wait3A_341 = arith.constant 0 : i32
    %dma_wait3A_342 = tpu.memref_slice %arg5[%dma_wait3A_335, %dma_wait3A_341] : memref<2x5200xi32, #tpu.memory_space<vmem>> -> memref<1x5200xi32, #tpu.memory_space<vmem>>
    %dma_wait3A_343 = tpu.memref_squeeze %dma_wait3A_342 : memref<1x5200xi32, #tpu.memory_space<vmem>> -> memref<5200xi32, #tpu.memory_space<vmem>>
    %dma_wait3A_344 = arith.constant 0 : i32
    %dma_wait3A_345 = arith.constant 0 : i32
    %dma_wait3A_346 = tpu.memref_slice %arg2[%dma_wait3A_344, %dma_wait3A_345] : memref<2626x8xf32, #tpu.memory_space<hbm>> -> memref<2626x8xf32, #tpu.memory_space<hbm>>
    tpu.wait_indirect_dma semaphore(%arg9 : memref<!tpu.dma_semaphore, #tpu.memory_space<semaphore_mem>>) src(%dma_wait3A_346 : memref<2626x8xf32, #tpu.memory_space<hbm>>) dst(%dma_wait3A_340 : memref<5200x8xf32, #tpu.memory_space<vmem>>)
    %add3A_347 = arith.constant 20800 : i32
    %add3A_348 = arith.addi %mul3A_2, %add3A_347 : i32
    %dma_start3A_349 = arith.constant 0 : i32
    %dma_start3A_350 = arith.constant 0 : i32
    %dma_start3A_351 = arith.constant 0 : i32
    %dma_start3A_352 = tpu.memref_slice %arg6[%dma_start3A_349, %dma_start3A_350, %dma_start3A_351] : memref<2x5200x8xf32, #tpu.memory_space<vmem>> -> memref<1x5200x8xf32, #tpu.memory_space<vmem>>
    %dma_start3A_353 = tpu.memref_squeeze %dma_start3A_352 : memref<1x5200x8xf32, #tpu.memory_space<vmem>> -> memref<5200x8xf32, #tpu.memory_space<vmem>>
    %dma_start3A_354 = arith.constant 0 : i32
    %dma_start3A_355 = tpu.memref_slice %arg4[%add3A_348, %dma_start3A_354] : memref<1331200x8xf32, #tpu.memory_space<hbm>> -> memref<5200x8xf32, #tpu.memory_space<hbm>>
    %dma_start3A_356 = arith.constant 0 : i32
    %dma_start3A_357 = tpu.memref_slice %arg4[%add3A_348, %dma_start3A_356] : memref<1331200x8xf32, #tpu.memory_space<hbm>> -> memref<5200x8xf32, #tpu.memory_space<hbm>>
    %dma_start3A_358 = arith.constant 0 : i32
    %dma_start3A_359 = arith.constant 0 : i32
    %dma_start3A_360 = tpu.memref_slice %arg6[%dma_start3A_349, %dma_start3A_358, %dma_start3A_359] : memref<2x5200x8xf32, #tpu.memory_space<vmem>> -> memref<1x5200x8xf32, #tpu.memory_space<vmem>>
    %dma_start3A_361 = tpu.memref_squeeze %dma_start3A_360 : memref<1x5200x8xf32, #tpu.memory_space<vmem>> -> memref<5200x8xf32, #tpu.memory_space<vmem>>
    tpu.enqueue_dma source(%dma_start3A_361 : memref<5200x8xf32, #tpu.memory_space<vmem>>) target(%dma_start3A_357 : memref<5200x8xf32, #tpu.memory_space<hbm>>) target_semaphore(%arg10 : memref<!tpu.dma_semaphore, #tpu.memory_space<semaphore_mem>>)
    %add3A_362 = arith.constant 31200 : i32
    %add3A_363 = arith.addi %mul3A_2, %add3A_362 : i32
    %dma_start3A_364 = arith.constant 0 : i32
    %dma_start3A_365 = arith.constant 0 : i32
    %dma_start3A_366 = tpu.memref_slice %arg5[%dma_start3A_364, %dma_start3A_365] : memref<2x5200xi32, #tpu.memory_space<vmem>> -> memref<1x5200xi32, #tpu.memory_space<vmem>>
    %dma_start3A_367 = tpu.memref_squeeze %dma_start3A_366 : memref<1x5200xi32, #tpu.memory_space<vmem>> -> memref<5200xi32, #tpu.memory_space<vmem>>
    %dma_start3A_368 = tpu.memref_slice %arg3[%add3A_363] : memref<1331200xi32, #tpu.memory_space<hbm>> -> memref<5200xi32, #tpu.memory_space<hbm>>
    %dma_start3A_369 = arith.constant 0 : i32
    %dma_start3A_370 = tpu.memref_slice %arg5[%dma_start3A_364, %dma_start3A_369] : memref<2x5200xi32, #tpu.memory_space<vmem>> -> memref<1x5200xi32, #tpu.memory_space<vmem>>
    %dma_start3A_371 = tpu.memref_squeeze %dma_start3A_370 : memref<1x5200xi32, #tpu.memory_space<vmem>> -> memref<5200xi32, #tpu.memory_space<vmem>>
    %dma_start3A_372 = tpu.memref_slice %arg3[%add3A_363] : memref<1331200xi32, #tpu.memory_space<hbm>> -> memref<5200xi32, #tpu.memory_space<hbm>>
    tpu.enqueue_dma source(%dma_start3A_372 : memref<5200xi32, #tpu.memory_space<hbm>>) target(%dma_start3A_371 : memref<5200xi32, #tpu.memory_space<vmem>>) target_semaphore(%arg7 : memref<!tpu.dma_semaphore, #tpu.memory_space<semaphore_mem>>)
    %add3A_373 = arith.constant 26000 : i32
    %add3A_374 = arith.addi %mul3A_2, %add3A_373 : i32
    %dma_wait3A_375 = arith.constant 1 : i32
    %dma_wait3A_376 = arith.constant 0 : i32
    %dma_wait3A_377 = tpu.memref_slice %arg5[%dma_wait3A_375, %dma_wait3A_376] : memref<2x5200xi32, #tpu.memory_space<vmem>> -> memref<1x5200xi32, #tpu.memory_space<vmem>>
    %dma_wait3A_378 = tpu.memref_squeeze %dma_wait3A_377 : memref<1x5200xi32, #tpu.memory_space<vmem>> -> memref<5200xi32, #tpu.memory_space<vmem>>
    %dma_wait3A_379 = tpu.memref_slice %arg3[%add3A_374] : memref<1331200xi32, #tpu.memory_space<hbm>> -> memref<5200xi32, #tpu.memory_space<hbm>>
    %dma_wait3A_380 = arith.constant 0 : i32
    %dma_wait3A_381 = tpu.memref_slice %arg5[%dma_wait3A_375, %dma_wait3A_380] : memref<2x5200xi32, #tpu.memory_space<vmem>> -> memref<1x5200xi32, #tpu.memory_space<vmem>>
    %dma_wait3A_382 = tpu.memref_squeeze %dma_wait3A_381 : memref<1x5200xi32, #tpu.memory_space<vmem>> -> memref<5200xi32, #tpu.memory_space<vmem>>
    %dma_wait3A_383 = tpu.memref_slice %arg3[%add3A_374] : memref<1331200xi32, #tpu.memory_space<hbm>> -> memref<5200xi32, #tpu.memory_space<hbm>>
    tpu.wait_dma2 semaphore(%arg8 : memref<!tpu.dma_semaphore, #tpu.memory_space<semaphore_mem>>) src(%dma_wait3A_383 : memref<5200xi32, #tpu.memory_space<hbm>>) dst(%dma_wait3A_382 : memref<5200xi32, #tpu.memory_space<vmem>>)
    %add3A_384 = arith.constant 15600 : i32
    %add3A_385 = arith.addi %mul3A_2, %add3A_384 : i32
    %dma_wait3A_386 = arith.constant 1 : i32
    %dma_wait3A_387 = arith.constant 0 : i32
    %dma_wait3A_388 = arith.constant 0 : i32
    %dma_wait3A_389 = tpu.memref_slice %arg6[%dma_wait3A_386, %dma_wait3A_387, %dma_wait3A_388] : memref<2x5200x8xf32, #tpu.memory_space<vmem>> -> memref<1x5200x8xf32, #tpu.memory_space<vmem>>
    %dma_wait3A_390 = tpu.memref_squeeze %dma_wait3A_389 : memref<1x5200x8xf32, #tpu.memory_space<vmem>> -> memref<5200x8xf32, #tpu.memory_space<vmem>>
    %dma_wait3A_391 = arith.constant 0 : i32
    %dma_wait3A_392 = tpu.memref_slice %arg4[%add3A_385, %dma_wait3A_391] : memref<1331200x8xf32, #tpu.memory_space<hbm>> -> memref<5200x8xf32, #tpu.memory_space<hbm>>
    %dma_wait3A_393 = arith.constant 0 : i32
    %dma_wait3A_394 = tpu.memref_slice %arg4[%add3A_385, %dma_wait3A_393] : memref<1331200x8xf32, #tpu.memory_space<hbm>> -> memref<5200x8xf32, #tpu.memory_space<hbm>>
    %dma_wait3A_395 = arith.constant 0 : i32
    %dma_wait3A_396 = arith.constant 0 : i32
    %dma_wait3A_397 = tpu.memref_slice %arg6[%dma_wait3A_386, %dma_wait3A_395, %dma_wait3A_396] : memref<2x5200x8xf32, #tpu.memory_space<vmem>> -> memref<1x5200x8xf32, #tpu.memory_space<vmem>>
    %dma_wait3A_398 = tpu.memref_squeeze %dma_wait3A_397 : memref<1x5200x8xf32, #tpu.memory_space<vmem>> -> memref<5200x8xf32, #tpu.memory_space<vmem>>
    tpu.wait_dma2 semaphore(%arg11 : memref<!tpu.dma_semaphore, #tpu.memory_space<semaphore_mem>>) src(%dma_wait3A_398 : memref<5200x8xf32, #tpu.memory_space<vmem>>) dst(%dma_wait3A_394 : memref<5200x8xf32, #tpu.memory_space<hbm>>)
    %dma_start3A_399 = arith.constant 1 : i32
    %dma_start3A_400 = arith.constant 1 : i32
    %dma_start3A_401 = arith.constant 0 : i32
    %dma_start3A_402 = arith.constant 0 : i32
    %dma_start3A_403 = tpu.memref_slice %arg6[%dma_start3A_400, %dma_start3A_401, %dma_start3A_402] : memref<2x5200x8xf32, #tpu.memory_space<vmem>> -> memref<1x5200x8xf32, #tpu.memory_space<vmem>>
    %dma_start3A_404 = tpu.memref_squeeze %dma_start3A_403 : memref<1x5200x8xf32, #tpu.memory_space<vmem>> -> memref<5200x8xf32, #tpu.memory_space<vmem>>
    %dma_start3A_405 = arith.constant 0 : i32
    %dma_start3A_406 = tpu.memref_slice %arg5[%dma_start3A_399, %dma_start3A_405] : memref<2x5200xi32, #tpu.memory_space<vmem>> -> memref<1x5200xi32, #tpu.memory_space<vmem>>
    %dma_start3A_407 = tpu.memref_squeeze %dma_start3A_406 : memref<1x5200xi32, #tpu.memory_space<vmem>> -> memref<5200xi32, #tpu.memory_space<vmem>>
    %dma_start3A_408 = arith.constant 0 : i32
    %dma_start3A_409 = arith.constant 0 : i32
    %dma_start3A_410 = tpu.memref_slice %arg2[%dma_start3A_408, %dma_start3A_409] : memref<2626x8xf32, #tpu.memory_space<hbm>> -> memref<2626x8xf32, #tpu.memory_space<hbm>>
    tpu.enqueue_indirect_dma source(%dma_start3A_410 : memref<2626x8xf32, #tpu.memory_space<hbm>>) target(%dma_start3A_404 : memref<5200x8xf32, #tpu.memory_space<vmem>>) offsets(%dma_start3A_407 : memref<5200xi32, #tpu.memory_space<vmem>>) semaphore(%arg9 : memref<!tpu.dma_semaphore, #tpu.memory_space<semaphore_mem>>)
    %dma_wait3A_411 = arith.constant 1 : i32
    %dma_wait3A_412 = arith.constant 1 : i32
    %dma_wait3A_413 = arith.constant 0 : i32
    %dma_wait3A_414 = arith.constant 0 : i32
    %dma_wait3A_415 = tpu.memref_slice %arg6[%dma_wait3A_412, %dma_wait3A_413, %dma_wait3A_414] : memref<2x5200x8xf32, #tpu.memory_space<vmem>> -> memref<1x5200x8xf32, #tpu.memory_space<vmem>>
    %dma_wait3A_416 = tpu.memref_squeeze %dma_wait3A_415 : memref<1x5200x8xf32, #tpu.memory_space<vmem>> -> memref<5200x8xf32, #tpu.memory_space<vmem>>
    %dma_wait3A_417 = arith.constant 0 : i32
    %dma_wait3A_418 = tpu.memref_slice %arg5[%dma_wait3A_411, %dma_wait3A_417] : memref<2x5200xi32, #tpu.memory_space<vmem>> -> memref<1x5200xi32, #tpu.memory_space<vmem>>
    %dma_wait3A_419 = tpu.memref_squeeze %dma_wait3A_418 : memref<1x5200xi32, #tpu.memory_space<vmem>> -> memref<5200xi32, #tpu.memory_space<vmem>>
    %dma_wait3A_420 = arith.constant 0 : i32
    %dma_wait3A_421 = arith.constant 0 : i32
    %dma_wait3A_422 = tpu.memref_slice %arg2[%dma_wait3A_420, %dma_wait3A_421] : memref<2626x8xf32, #tpu.memory_space<hbm>> -> memref<2626x8xf32, #tpu.memory_space<hbm>>
    tpu.wait_indirect_dma semaphore(%arg9 : memref<!tpu.dma_semaphore, #tpu.memory_space<semaphore_mem>>) src(%dma_wait3A_422 : memref<2626x8xf32, #tpu.memory_space<hbm>>) dst(%dma_wait3A_416 : memref<5200x8xf32, #tpu.memory_space<vmem>>)
    %add3A_423 = arith.constant 26000 : i32
    %add3A_424 = arith.addi %mul3A_2, %add3A_423 : i32
    %dma_start3A_425 = arith.constant 1 : i32
    %dma_start3A_426 = arith.constant 0 : i32
    %dma_start3A_427 = arith.constant 0 : i32
    %dma_start3A_428 = tpu.memref_slice %arg6[%dma_start3A_425, %dma_start3A_426, %dma_start3A_427] : memref<2x5200x8xf32, #tpu.memory_space<vmem>> -> memref<1x5200x8xf32, #tpu.memory_space<vmem>>
    %dma_start3A_429 = tpu.memref_squeeze %dma_start3A_428 : memref<1x5200x8xf32, #tpu.memory_space<vmem>> -> memref<5200x8xf32, #tpu.memory_space<vmem>>
    %dma_start3A_430 = arith.constant 0 : i32
    %dma_start3A_431 = tpu.memref_slice %arg4[%add3A_424, %dma_start3A_430] : memref<1331200x8xf32, #tpu.memory_space<hbm>> -> memref<5200x8xf32, #tpu.memory_space<hbm>>
    %dma_start3A_432 = arith.constant 0 : i32
    %dma_start3A_433 = tpu.memref_slice %arg4[%add3A_424, %dma_start3A_432] : memref<1331200x8xf32, #tpu.memory_space<hbm>> -> memref<5200x8xf32, #tpu.memory_space<hbm>>
    %dma_start3A_434 = arith.constant 0 : i32
    %dma_start3A_435 = arith.constant 0 : i32
    %dma_start3A_436 = tpu.memref_slice %arg6[%dma_start3A_425, %dma_start3A_434, %dma_start3A_435] : memref<2x5200x8xf32, #tpu.memory_space<vmem>> -> memref<1x5200x8xf32, #tpu.memory_space<vmem>>
    %dma_start3A_437 = tpu.memref_squeeze %dma_start3A_436 : memref<1x5200x8xf32, #tpu.memory_space<vmem>> -> memref<5200x8xf32, #tpu.memory_space<vmem>>
    tpu.enqueue_dma source(%dma_start3A_437 : memref<5200x8xf32, #tpu.memory_space<vmem>>) target(%dma_start3A_433 : memref<5200x8xf32, #tpu.memory_space<hbm>>) target_semaphore(%arg11 : memref<!tpu.dma_semaphore, #tpu.memory_space<semaphore_mem>>)
    %add3A_438 = arith.constant 36400 : i32
    %add3A_439 = arith.addi %mul3A_2, %add3A_438 : i32
    %dma_start3A_440 = arith.constant 1 : i32
    %dma_start3A_441 = arith.constant 0 : i32
    %dma_start3A_442 = tpu.memref_slice %arg5[%dma_start3A_440, %dma_start3A_441] : memref<2x5200xi32, #tpu.memory_space<vmem>> -> memref<1x5200xi32, #tpu.memory_space<vmem>>
    %dma_start3A_443 = tpu.memref_squeeze %dma_start3A_442 : memref<1x5200xi32, #tpu.memory_space<vmem>> -> memref<5200xi32, #tpu.memory_space<vmem>>
    %dma_start3A_444 = tpu.memref_slice %arg3[%add3A_439] : memref<1331200xi32, #tpu.memory_space<hbm>> -> memref<5200xi32, #tpu.memory_space<hbm>>
    %dma_start3A_445 = arith.constant 0 : i32
    %dma_start3A_446 = tpu.memref_slice %arg5[%dma_start3A_440, %dma_start3A_445] : memref<2x5200xi32, #tpu.memory_space<vmem>> -> memref<1x5200xi32, #tpu.memory_space<vmem>>
    %dma_start3A_447 = tpu.memref_squeeze %dma_start3A_446 : memref<1x5200xi32, #tpu.memory_space<vmem>> -> memref<5200xi32, #tpu.memory_space<vmem>>
    %dma_start3A_448 = tpu.memref_slice %arg3[%add3A_439] : memref<1331200xi32, #tpu.memory_space<hbm>> -> memref<5200xi32, #tpu.memory_space<hbm>>
    tpu.enqueue_dma source(%dma_start3A_448 : memref<5200xi32, #tpu.memory_space<hbm>>) target(%dma_start3A_447 : memref<5200xi32, #tpu.memory_space<vmem>>) target_semaphore(%arg8 : memref<!tpu.dma_semaphore, #tpu.memory_space<semaphore_mem>>)
    %add3A_449 = arith.constant 31200 : i32
    %add3A_450 = arith.addi %mul3A_2, %add3A_449 : i32
    %dma_wait3A_451 = arith.constant 0 : i32
    %dma_wait3A_452 = arith.constant 0 : i32
    %dma_wait3A_453 = tpu.memref_slice %arg5[%dma_wait3A_451, %dma_wait3A_452] : memref<2x5200xi32, #tpu.memory_space<vmem>> -> memref<1x5200xi32, #tpu.memory_space<vmem>>
    %dma_wait3A_454 = tpu.memref_squeeze %dma_wait3A_453 : memref<1x5200xi32, #tpu.memory_space<vmem>> -> memref<5200xi32, #tpu.memory_space<vmem>>
    %dma_wait3A_455 = tpu.memref_slice %arg3[%add3A_450] : memref<1331200xi32, #tpu.memory_space<hbm>> -> memref<5200xi32, #tpu.memory_space<hbm>>
    %dma_wait3A_456 = arith.constant 0 : i32
    %dma_wait3A_457 = tpu.memref_slice %arg5[%dma_wait3A_451, %dma_wait3A_456] : memref<2x5200xi32, #tpu.memory_space<vmem>> -> memref<1x5200xi32, #tpu.memory_space<vmem>>
    %dma_wait3A_458 = tpu.memref_squeeze %dma_wait3A_457 : memref<1x5200xi32, #tpu.memory_space<vmem>> -> memref<5200xi32, #tpu.memory_space<vmem>>
    %dma_wait3A_459 = tpu.memref_slice %arg3[%add3A_450] : memref<1331200xi32, #tpu.memory_space<hbm>> -> memref<5200xi32, #tpu.memory_space<hbm>>
    tpu.wait_dma2 semaphore(%arg7 : memref<!tpu.dma_semaphore, #tpu.memory_space<semaphore_mem>>) src(%dma_wait3A_459 : memref<5200xi32, #tpu.memory_space<hbm>>) dst(%dma_wait3A_458 : memref<5200xi32, #tpu.memory_space<vmem>>)
    %add3A_460 = arith.constant 20800 : i32
    %add3A_461 = arith.addi %mul3A_2, %add3A_460 : i32
    %dma_wait3A_462 = arith.constant 0 : i32
    %dma_wait3A_463 = arith.constant 0 : i32
    %dma_wait3A_464 = arith.constant 0 : i32
    %dma_wait3A_465 = tpu.memref_slice %arg6[%dma_wait3A_462, %dma_wait3A_463, %dma_wait3A_464] : memref<2x5200x8xf32, #tpu.memory_space<vmem>> -> memref<1x5200x8xf32, #tpu.memory_space<vmem>>
    %dma_wait3A_466 = tpu.memref_squeeze %dma_wait3A_465 : memref<1x5200x8xf32, #tpu.memory_space<vmem>> -> memref<5200x8xf32, #tpu.memory_space<vmem>>
    %dma_wait3A_467 = arith.constant 0 : i32
    %dma_wait3A_468 = tpu.memref_slice %arg4[%add3A_461, %dma_wait3A_467] : memref<1331200x8xf32, #tpu.memory_space<hbm>> -> memref<5200x8xf32, #tpu.memory_space<hbm>>
    %dma_wait3A_469 = arith.constant 0 : i32
    %dma_wait3A_470 = tpu.memref_slice %arg4[%add3A_461, %dma_wait3A_469] : memref<1331200x8xf32, #tpu.memory_space<hbm>> -> memref<5200x8xf32, #tpu.memory_space<hbm>>
    %dma_wait3A_471 = arith.constant 0 : i32
    %dma_wait3A_472 = arith.constant 0 : i32
    %dma_wait3A_473 = tpu.memref_slice %arg6[%dma_wait3A_462, %dma_wait3A_471, %dma_wait3A_472] : memref<2x5200x8xf32, #tpu.memory_space<vmem>> -> memref<1x5200x8xf32, #tpu.memory_space<vmem>>
    %dma_wait3A_474 = tpu.memref_squeeze %dma_wait3A_473 : memref<1x5200x8xf32, #tpu.memory_space<vmem>> -> memref<5200x8xf32, #tpu.memory_space<vmem>>
    tpu.wait_dma2 semaphore(%arg10 : memref<!tpu.dma_semaphore, #tpu.memory_space<semaphore_mem>>) src(%dma_wait3A_474 : memref<5200x8xf32, #tpu.memory_space<vmem>>) dst(%dma_wait3A_470 : memref<5200x8xf32, #tpu.memory_space<hbm>>)
    %dma_start3A_475 = arith.constant 0 : i32
    %dma_start3A_476 = arith.constant 0 : i32
    %dma_start3A_477 = arith.constant 0 : i32
    %dma_start3A_478 = arith.constant 0 : i32
    %dma_start3A_479 = tpu.memref_slice %arg6[%dma_start3A_476, %dma_start3A_477, %dma_start3A_478] : memref<2x5200x8xf32, #tpu.memory_space<vmem>> -> memref<1x5200x8xf32, #tpu.memory_space<vmem>>
    %dma_start3A_480 = tpu.memref_squeeze %dma_start3A_479 : memref<1x5200x8xf32, #tpu.memory_space<vmem>> -> memref<5200x8xf32, #tpu.memory_space<vmem>>
    %dma_start3A_481 = arith.constant 0 : i32
    %dma_start3A_482 = tpu.memref_slice %arg5[%dma_start3A_475, %dma_start3A_481] : memref<2x5200xi32, #tpu.memory_space<vmem>> -> memref<1x5200xi32, #tpu.memory_space<vmem>>
    %dma_start3A_483 = tpu.memref_squeeze %dma_start3A_482 : memref<1x5200xi32, #tpu.memory_space<vmem>> -> memref<5200xi32, #tpu.memory_space<vmem>>
    %dma_start3A_484 = arith.constant 0 : i32
    %dma_start3A_485 = arith.constant 0 : i32
    %dma_start3A_486 = tpu.memref_slice %arg2[%dma_start3A_484, %dma_start3A_485] : memref<2626x8xf32, #tpu.memory_space<hbm>> -> memref<2626x8xf32, #tpu.memory_space<hbm>>
    tpu.enqueue_indirect_dma source(%dma_start3A_486 : memref<2626x8xf32, #tpu.memory_space<hbm>>) target(%dma_start3A_480 : memref<5200x8xf32, #tpu.memory_space<vmem>>) offsets(%dma_start3A_483 : memref<5200xi32, #tpu.memory_space<vmem>>) semaphore(%arg9 : memref<!tpu.dma_semaphore, #tpu.memory_space<semaphore_mem>>)
    %dma_wait3A_487 = arith.constant 0 : i32
    %dma_wait3A_488 = arith.constant 0 : i32
    %dma_wait3A_489 = arith.constant 0 : i32
    %dma_wait3A_490 = arith.constant 0 : i32
    %dma_wait3A_491 = tpu.memref_slice %arg6[%dma_wait3A_488, %dma_wait3A_489, %dma_wait3A_490] : memref<2x5200x8xf32, #tpu.memory_space<vmem>> -> memref<1x5200x8xf32, #tpu.memory_space<vmem>>
    %dma_wait3A_492 = tpu.memref_squeeze %dma_wait3A_491 : memref<1x5200x8xf32, #tpu.memory_space<vmem>> -> memref<5200x8xf32, #tpu.memory_space<vmem>>
    %dma_wait3A_493 = arith.constant 0 : i32
    %dma_wait3A_494 = tpu.memref_slice %arg5[%dma_wait3A_487, %dma_wait3A_493] : memref<2x5200xi32, #tpu.memory_space<vmem>> -> memref<1x5200xi32, #tpu.memory_space<vmem>>
    %dma_wait3A_495 = tpu.memref_squeeze %dma_wait3A_494 : memref<1x5200xi32, #tpu.memory_space<vmem>> -> memref<5200xi32, #tpu.memory_space<vmem>>
    %dma_wait3A_496 = arith.constant 0 : i32
    %dma_wait3A_497 = arith.constant 0 : i32
    %dma_wait3A_498 = tpu.memref_slice %arg2[%dma_wait3A_496, %dma_wait3A_497] : memref<2626x8xf32, #tpu.memory_space<hbm>> -> memref<2626x8xf32, #tpu.memory_space<hbm>>
    tpu.wait_indirect_dma semaphore(%arg9 : memref<!tpu.dma_semaphore, #tpu.memory_space<semaphore_mem>>) src(%dma_wait3A_498 : memref<2626x8xf32, #tpu.memory_space<hbm>>) dst(%dma_wait3A_492 : memref<5200x8xf32, #tpu.memory_space<vmem>>)
    %add3A_499 = arith.constant 31200 : i32
    %add3A_500 = arith.addi %mul3A_2, %add3A_499 : i32
    %dma_start3A_501 = arith.constant 0 : i32
    %dma_start3A_502 = arith.constant 0 : i32
    %dma_start3A_503 = arith.constant 0 : i32
    %dma_start3A_504 = tpu.memref_slice %arg6[%dma_start3A_501, %dma_start3A_502, %dma_start3A_503] : memref<2x5200x8xf32, #tpu.memory_space<vmem>> -> memref<1x5200x8xf32, #tpu.memory_space<vmem>>
    %dma_start3A_505 = tpu.memref_squeeze %dma_start3A_504 : memref<1x5200x8xf32, #tpu.memory_space<vmem>> -> memref<5200x8xf32, #tpu.memory_space<vmem>>
    %dma_start3A_506 = arith.constant 0 : i32
    %dma_start3A_507 = tpu.memref_slice %arg4[%add3A_500, %dma_start3A_506] : memref<1331200x8xf32, #tpu.memory_space<hbm>> -> memref<5200x8xf32, #tpu.memory_space<hbm>>
    %dma_start3A_508 = arith.constant 0 : i32
    %dma_start3A_509 = tpu.memref_slice %arg4[%add3A_500, %dma_start3A_508] : memref<1331200x8xf32, #tpu.memory_space<hbm>> -> memref<5200x8xf32, #tpu.memory_space<hbm>>
    %dma_start3A_510 = arith.constant 0 : i32
    %dma_start3A_511 = arith.constant 0 : i32
    %dma_start3A_512 = tpu.memref_slice %arg6[%dma_start3A_501, %dma_start3A_510, %dma_start3A_511] : memref<2x5200x8xf32, #tpu.memory_space<vmem>> -> memref<1x5200x8xf32, #tpu.memory_space<vmem>>
    %dma_start3A_513 = tpu.memref_squeeze %dma_start3A_512 : memref<1x5200x8xf32, #tpu.memory_space<vmem>> -> memref<5200x8xf32, #tpu.memory_space<vmem>>
    tpu.enqueue_dma source(%dma_start3A_513 : memref<5200x8xf32, #tpu.memory_space<vmem>>) target(%dma_start3A_509 : memref<5200x8xf32, #tpu.memory_space<hbm>>) target_semaphore(%arg10 : memref<!tpu.dma_semaphore, #tpu.memory_space<semaphore_mem>>)
    %add3A_514 = arith.constant 36400 : i32
    %add3A_515 = arith.addi %mul3A_2, %add3A_514 : i32
    %dma_wait3A_516 = arith.constant 1 : i32
    %dma_wait3A_517 = arith.constant 0 : i32
    %dma_wait3A_518 = tpu.memref_slice %arg5[%dma_wait3A_516, %dma_wait3A_517] : memref<2x5200xi32, #tpu.memory_space<vmem>> -> memref<1x5200xi32, #tpu.memory_space<vmem>>
    %dma_wait3A_519 = tpu.memref_squeeze %dma_wait3A_518 : memref<1x5200xi32, #tpu.memory_space<vmem>> -> memref<5200xi32, #tpu.memory_space<vmem>>
    %dma_wait3A_520 = tpu.memref_slice %arg3[%add3A_515] : memref<1331200xi32, #tpu.memory_space<hbm>> -> memref<5200xi32, #tpu.memory_space<hbm>>
    %dma_wait3A_521 = arith.constant 0 : i32
    %dma_wait3A_522 = tpu.memref_slice %arg5[%dma_wait3A_516, %dma_wait3A_521] : memref<2x5200xi32, #tpu.memory_space<vmem>> -> memref<1x5200xi32, #tpu.memory_space<vmem>>
    %dma_wait3A_523 = tpu.memref_squeeze %dma_wait3A_522 : memref<1x5200xi32, #tpu.memory_space<vmem>> -> memref<5200xi32, #tpu.memory_space<vmem>>
    %dma_wait3A_524 = tpu.memref_slice %arg3[%add3A_515] : memref<1331200xi32, #tpu.memory_space<hbm>> -> memref<5200xi32, #tpu.memory_space<hbm>>
    tpu.wait_dma2 semaphore(%arg8 : memref<!tpu.dma_semaphore, #tpu.memory_space<semaphore_mem>>) src(%dma_wait3A_524 : memref<5200xi32, #tpu.memory_space<hbm>>) dst(%dma_wait3A_523 : memref<5200xi32, #tpu.memory_space<vmem>>)
    %add3A_525 = arith.constant 26000 : i32
    %add3A_526 = arith.addi %mul3A_2, %add3A_525 : i32
    %dma_wait3A_527 = arith.constant 1 : i32
    %dma_wait3A_528 = arith.constant 0 : i32
    %dma_wait3A_529 = arith.constant 0 : i32
    %dma_wait3A_530 = tpu.memref_slice %arg6[%dma_wait3A_527, %dma_wait3A_528, %dma_wait3A_529] : memref<2x5200x8xf32, #tpu.memory_space<vmem>> -> memref<1x5200x8xf32, #tpu.memory_space<vmem>>
    %dma_wait3A_531 = tpu.memref_squeeze %dma_wait3A_530 : memref<1x5200x8xf32, #tpu.memory_space<vmem>> -> memref<5200x8xf32, #tpu.memory_space<vmem>>
    %dma_wait3A_532 = arith.constant 0 : i32
    %dma_wait3A_533 = tpu.memref_slice %arg4[%add3A_526, %dma_wait3A_532] : memref<1331200x8xf32, #tpu.memory_space<hbm>> -> memref<5200x8xf32, #tpu.memory_space<hbm>>
    %dma_wait3A_534 = arith.constant 0 : i32
    %dma_wait3A_535 = tpu.memref_slice %arg4[%add3A_526, %dma_wait3A_534] : memref<1331200x8xf32, #tpu.memory_space<hbm>> -> memref<5200x8xf32, #tpu.memory_space<hbm>>
    %dma_wait3A_536 = arith.constant 0 : i32
    %dma_wait3A_537 = arith.constant 0 : i32
    %dma_wait3A_538 = tpu.memref_slice %arg6[%dma_wait3A_527, %dma_wait3A_536, %dma_wait3A_537] : memref<2x5200x8xf32, #tpu.memory_space<vmem>> -> memref<1x5200x8xf32, #tpu.memory_space<vmem>>
    %dma_wait3A_539 = tpu.memref_squeeze %dma_wait3A_538 : memref<1x5200x8xf32, #tpu.memory_space<vmem>> -> memref<5200x8xf32, #tpu.memory_space<vmem>>
    tpu.wait_dma2 semaphore(%arg11 : memref<!tpu.dma_semaphore, #tpu.memory_space<semaphore_mem>>) src(%dma_wait3A_539 : memref<5200x8xf32, #tpu.memory_space<vmem>>) dst(%dma_wait3A_535 : memref<5200x8xf32, #tpu.memory_space<hbm>>)
    %dma_start3A_540 = arith.constant 1 : i32
    %dma_start3A_541 = arith.constant 1 : i32
    %dma_start3A_542 = arith.constant 0 : i32
    %dma_start3A_543 = arith.constant 0 : i32
    %dma_start3A_544 = tpu.memref_slice %arg6[%dma_start3A_541, %dma_start3A_542, %dma_start3A_543] : memref<2x5200x8xf32, #tpu.memory_space<vmem>> -> memref<1x5200x8xf32, #tpu.memory_space<vmem>>
    %dma_start3A_545 = tpu.memref_squeeze %dma_start3A_544 : memref<1x5200x8xf32, #tpu.memory_space<vmem>> -> memref<5200x8xf32, #tpu.memory_space<vmem>>
    %dma_start3A_546 = arith.constant 0 : i32
    %dma_start3A_547 = tpu.memref_slice %arg5[%dma_start3A_540, %dma_start3A_546] : memref<2x5200xi32, #tpu.memory_space<vmem>> -> memref<1x5200xi32, #tpu.memory_space<vmem>>
    %dma_start3A_548 = tpu.memref_squeeze %dma_start3A_547 : memref<1x5200xi32, #tpu.memory_space<vmem>> -> memref<5200xi32, #tpu.memory_space<vmem>>
    %dma_start3A_549 = arith.constant 0 : i32
    %dma_start3A_550 = arith.constant 0 : i32
    %dma_start3A_551 = tpu.memref_slice %arg2[%dma_start3A_549, %dma_start3A_550] : memref<2626x8xf32, #tpu.memory_space<hbm>> -> memref<2626x8xf32, #tpu.memory_space<hbm>>
    tpu.enqueue_indirect_dma source(%dma_start3A_551 : memref<2626x8xf32, #tpu.memory_space<hbm>>) target(%dma_start3A_545 : memref<5200x8xf32, #tpu.memory_space<vmem>>) offsets(%dma_start3A_548 : memref<5200xi32, #tpu.memory_space<vmem>>) semaphore(%arg9 : memref<!tpu.dma_semaphore, #tpu.memory_space<semaphore_mem>>)
    %dma_wait3A_552 = arith.constant 1 : i32
    %dma_wait3A_553 = arith.constant 1 : i32
    %dma_wait3A_554 = arith.constant 0 : i32
    %dma_wait3A_555 = arith.constant 0 : i32
    %dma_wait3A_556 = tpu.memref_slice %arg6[%dma_wait3A_553, %dma_wait3A_554, %dma_wait3A_555] : memref<2x5200x8xf32, #tpu.memory_space<vmem>> -> memref<1x5200x8xf32, #tpu.memory_space<vmem>>
    %dma_wait3A_557 = tpu.memref_squeeze %dma_wait3A_556 : memref<1x5200x8xf32, #tpu.memory_space<vmem>> -> memref<5200x8xf32, #tpu.memory_space<vmem>>
    %dma_wait3A_558 = arith.constant 0 : i32
    %dma_wait3A_559 = tpu.memref_slice %arg5[%dma_wait3A_552, %dma_wait3A_558] : memref<2x5200xi32, #tpu.memory_space<vmem>> -> memref<1x5200xi32, #tpu.memory_space<vmem>>
    %dma_wait3A_560 = tpu.memref_squeeze %dma_wait3A_559 : memref<1x5200xi32, #tpu.memory_space<vmem>> -> memref<5200xi32, #tpu.memory_space<vmem>>
    %dma_wait3A_561 = arith.constant 0 : i32
    %dma_wait3A_562 = arith.constant 0 : i32
    %dma_wait3A_563 = tpu.memref_slice %arg2[%dma_wait3A_561, %dma_wait3A_562] : memref<2626x8xf32, #tpu.memory_space<hbm>> -> memref<2626x8xf32, #tpu.memory_space<hbm>>
    tpu.wait_indirect_dma semaphore(%arg9 : memref<!tpu.dma_semaphore, #tpu.memory_space<semaphore_mem>>) src(%dma_wait3A_563 : memref<2626x8xf32, #tpu.memory_space<hbm>>) dst(%dma_wait3A_557 : memref<5200x8xf32, #tpu.memory_space<vmem>>)
    %add3A_564 = arith.constant 36400 : i32
    %add3A_565 = arith.addi %mul3A_2, %add3A_564 : i32
    %dma_start3A_566 = arith.constant 1 : i32
    %dma_start3A_567 = arith.constant 0 : i32
    %dma_start3A_568 = arith.constant 0 : i32
    %dma_start3A_569 = tpu.memref_slice %arg6[%dma_start3A_566, %dma_start3A_567, %dma_start3A_568] : memref<2x5200x8xf32, #tpu.memory_space<vmem>> -> memref<1x5200x8xf32, #tpu.memory_space<vmem>>
    %dma_start3A_570 = tpu.memref_squeeze %dma_start3A_569 : memref<1x5200x8xf32, #tpu.memory_space<vmem>> -> memref<5200x8xf32, #tpu.memory_space<vmem>>
    %dma_start3A_571 = arith.constant 0 : i32
    %dma_start3A_572 = tpu.memref_slice %arg4[%add3A_565, %dma_start3A_571] : memref<1331200x8xf32, #tpu.memory_space<hbm>> -> memref<5200x8xf32, #tpu.memory_space<hbm>>
    %dma_start3A_573 = arith.constant 0 : i32
    %dma_start3A_574 = tpu.memref_slice %arg4[%add3A_565, %dma_start3A_573] : memref<1331200x8xf32, #tpu.memory_space<hbm>> -> memref<5200x8xf32, #tpu.memory_space<hbm>>
    %dma_start3A_575 = arith.constant 0 : i32
    %dma_start3A_576 = arith.constant 0 : i32
    %dma_start3A_577 = tpu.memref_slice %arg6[%dma_start3A_566, %dma_start3A_575, %dma_start3A_576] : memref<2x5200x8xf32, #tpu.memory_space<vmem>> -> memref<1x5200x8xf32, #tpu.memory_space<vmem>>
    %dma_start3A_578 = tpu.memref_squeeze %dma_start3A_577 : memref<1x5200x8xf32, #tpu.memory_space<vmem>> -> memref<5200x8xf32, #tpu.memory_space<vmem>>
    tpu.enqueue_dma source(%dma_start3A_578 : memref<5200x8xf32, #tpu.memory_space<vmem>>) target(%dma_start3A_574 : memref<5200x8xf32, #tpu.memory_space<hbm>>) target_semaphore(%arg11 : memref<!tpu.dma_semaphore, #tpu.memory_space<semaphore_mem>>)
    %add3A_579 = arith.constant 31200 : i32
    %add3A_580 = arith.addi %mul3A_2, %add3A_579 : i32
    %dma_wait3A_581 = arith.constant 0 : i32
    %dma_wait3A_582 = arith.constant 0 : i32
    %dma_wait3A_583 = arith.constant 0 : i32
    %dma_wait3A_584 = tpu.memref_slice %arg6[%dma_wait3A_581, %dma_wait3A_582, %dma_wait3A_583] : memref<2x5200x8xf32, #tpu.memory_space<vmem>> -> memref<1x5200x8xf32, #tpu.memory_space<vmem>>
    %dma_wait3A_585 = tpu.memref_squeeze %dma_wait3A_584 : memref<1x5200x8xf32, #tpu.memory_space<vmem>> -> memref<5200x8xf32, #tpu.memory_space<vmem>>
    %dma_wait3A_586 = arith.constant 0 : i32
    %dma_wait3A_587 = tpu.memref_slice %arg4[%add3A_580, %dma_wait3A_586] : memref<1331200x8xf32, #tpu.memory_space<hbm>> -> memref<5200x8xf32, #tpu.memory_space<hbm>>
    %dma_wait3A_588 = arith.constant 0 : i32
    %dma_wait3A_589 = tpu.memref_slice %arg4[%add3A_580, %dma_wait3A_588] : memref<1331200x8xf32, #tpu.memory_space<hbm>> -> memref<5200x8xf32, #tpu.memory_space<hbm>>
    %dma_wait3A_590 = arith.constant 0 : i32
    %dma_wait3A_591 = arith.constant 0 : i32
    %dma_wait3A_592 = tpu.memref_slice %arg6[%dma_wait3A_581, %dma_wait3A_590, %dma_wait3A_591] : memref<2x5200x8xf32, #tpu.memory_space<vmem>> -> memref<1x5200x8xf32, #tpu.memory_space<vmem>>
    %dma_wait3A_593 = tpu.memref_squeeze %dma_wait3A_592 : memref<1x5200x8xf32, #tpu.memory_space<vmem>> -> memref<5200x8xf32, #tpu.memory_space<vmem>>
    tpu.wait_dma2 semaphore(%arg10 : memref<!tpu.dma_semaphore, #tpu.memory_space<semaphore_mem>>) src(%dma_wait3A_593 : memref<5200x8xf32, #tpu.memory_space<vmem>>) dst(%dma_wait3A_589 : memref<5200x8xf32, #tpu.memory_space<hbm>>)
    %add3A_594 = arith.constant 36400 : i32
    %add3A_595 = arith.addi %mul3A_2, %add3A_594 : i32
    %dma_wait3A_596 = arith.constant 1 : i32
    %dma_wait3A_597 = arith.constant 0 : i32
    %dma_wait3A_598 = arith.constant 0 : i32
    %dma_wait3A_599 = tpu.memref_slice %arg6[%dma_wait3A_596, %dma_wait3A_597, %dma_wait3A_598] : memref<2x5200x8xf32, #tpu.memory_space<vmem>> -> memref<1x5200x8xf32, #tpu.memory_space<vmem>>
    %dma_wait3A_600 = tpu.memref_squeeze %dma_wait3A_599 : memref<1x5200x8xf32, #tpu.memory_space<vmem>> -> memref<5200x8xf32, #tpu.memory_space<vmem>>
    %dma_wait3A_601 = arith.constant 0 : i32
    %dma_wait3A_602 = tpu.memref_slice %arg4[%add3A_595, %dma_wait3A_601] : memref<1331200x8xf32, #tpu.memory_space<hbm>> -> memref<5200x8xf32, #tpu.memory_space<hbm>>
    %dma_wait3A_603 = arith.constant 0 : i32
    %dma_wait3A_604 = tpu.memref_slice %arg4[%add3A_595, %dma_wait3A_603] : memref<1331200x8xf32, #tpu.memory_space<hbm>> -> memref<5200x8xf32, #tpu.memory_space<hbm>>
    %dma_wait3A_605 = arith.constant 0 : i32
    %dma_wait3A_606 = arith.constant 0 : i32
    %dma_wait3A_607 = tpu.memref_slice %arg6[%dma_wait3A_596, %dma_wait3A_605, %dma_wait3A_606] : memref<2x5200x8xf32, #tpu.memory_space<vmem>> -> memref<1x5200x8xf32, #tpu.memory_space<vmem>>
    %dma_wait3A_608 = tpu.memref_squeeze %dma_wait3A_607 : memref<1x5200x8xf32, #tpu.memory_space<vmem>> -> memref<5200x8xf32, #tpu.memory_space<vmem>>
    tpu.wait_dma2 semaphore(%arg11 : memref<!tpu.dma_semaphore, #tpu.memory_space<semaphore_mem>>) src(%dma_wait3A_608 : memref<5200x8xf32, #tpu.memory_space<vmem>>) dst(%dma_wait3A_604 : memref<5200x8xf32, #tpu.memory_space<hbm>>)
    return
  }
}

module attributes {stable_mosaic.version = 14 : i64} {
  func.func @_gru_kernel(%arg0: i32, %arg1: memref<1x1024x208xf32, #tpu.memory_space<vmem>>, %arg2: memref<1x1024x208xf32, #tpu.memory_space<vmem>>, %arg3: memref<208x384xf32, #tpu.memory_space<vmem>>, %arg4: memref<1x384xf32, #tpu.memory_space<vmem>>, %arg5: memref<208x384xf32, #tpu.memory_space<vmem>>, %arg6: memref<1x384xf32, #tpu.memory_space<vmem>>, %arg7: memref<128x384xf32, #tpu.memory_space<vmem>>, %arg8: memref<1x384xf32, #tpu.memory_space<vmem>>, %arg9: memref<128x384xf32, #tpu.memory_space<vmem>>, %arg10: memref<1x384xf32, #tpu.memory_space<vmem>>, %arg11: memref<768x32xf32, #tpu.memory_space<vmem>>, %arg12: memref<1x32xf32, #tpu.memory_space<vmem>>, %arg13: memref<1x32xf32, #tpu.memory_space<vmem>>, %arg14: memref<1x1xf32, #tpu.memory_space<vmem>>, %arg15: memref<1024x1xf32, #tpu.memory_space<vmem>>, %arg16: memref<1024x128xf32, #tpu.memory_space<vmem>>, %arg17: memref<1024x128xf32, #tpu.memory_space<vmem>>, %arg18: memref<1024x128xf32, #tpu.memory_space<vmem>>, %arg19: memref<1024x128xf32, #tpu.memory_space<vmem>>, %arg20: memref<1024x128xf32, #tpu.memory_space<vmem>>, %arg21: memref<1024x128xf32, #tpu.memory_space<vmem>>) attributes {dimension_semantics = [#tpu.dimension_semantics<arbitrary>], iteration_bounds = array<i64: 50>, scalar_prefetch = 0 : i64, scratch_operands = 6 : i64, tpu.core_type = #tpu.core_type<tc>, window_params = [{transform_indices = @transform_0, window_bounds = array<i64: 1, 1024, 208>}, {transform_indices = @transform_1, window_bounds = array<i64: 1, 1024, 208>}, {pipeline_mode = #tpu.pipeline_mode<synchronous>, transform_indices = @transform_2, window_bounds = array<i64: 208, 384>}, {pipeline_mode = #tpu.pipeline_mode<synchronous>, transform_indices = @transform_3, window_bounds = array<i64: 1, 384>}, {pipeline_mode = #tpu.pipeline_mode<synchronous>, transform_indices = @transform_4, window_bounds = array<i64: 208, 384>}, {pipeline_mode = #tpu.pipeline_mode<synchronous>, transform_indices = @transform_5, window_bounds = array<i64: 1, 384>}, {pipeline_mode = #tpu.pipeline_mode<synchronous>, transform_indices = @transform_6, window_bounds = array<i64: 128, 384>}, {pipeline_mode = #tpu.pipeline_mode<synchronous>, transform_indices = @transform_7, window_bounds = array<i64: 1, 384>}, {pipeline_mode = #tpu.pipeline_mode<synchronous>, transform_indices = @transform_8, window_bounds = array<i64: 128, 384>}, {pipeline_mode = #tpu.pipeline_mode<synchronous>, transform_indices = @transform_9, window_bounds = array<i64: 1, 384>}, {pipeline_mode = #tpu.pipeline_mode<synchronous>, transform_indices = @transform_10, window_bounds = array<i64: 768, 32>}, {pipeline_mode = #tpu.pipeline_mode<synchronous>, transform_indices = @transform_11, window_bounds = array<i64: 1, 32>}, {pipeline_mode = #tpu.pipeline_mode<synchronous>, transform_indices = @transform_12, window_bounds = array<i64: 1, 32>}, {pipeline_mode = #tpu.pipeline_mode<synchronous>, transform_indices = @transform_13, window_bounds = array<i64: 1, 1>}, {pipeline_mode = #tpu.pipeline_mode<synchronous>, transform_indices = @transform_14, window_bounds = array<i64: 1024, 1>}]} {
    %eq3A = arith.constant 0 : i32
    %eq3A_0 = arith.cmpi eq, %arg0, %eq3A : i32
    %convert_element_type3A = arith.extui %eq3A_0 : i1 to i32
    %cond3A = arith.constant 0 : i32
    %cond3A_1 = arith.cmpi ne, %convert_element_type3A, %cond3A : i32
    scf.if %cond3A_1 {
      %broadcast_in_dim3A_152 = arith.constant 0.000000e+00 : f32
      %broadcast_in_dim3A_153 = vector.broadcast %broadcast_in_dim3A_152 : f32 to vector<1024x128xf32>
      %broadcast_in_dim3A_154 = arith.constant -1.000000e+30 : f32
      %broadcast_in_dim3A_155 = vector.broadcast %broadcast_in_dim3A_154 : f32 to vector<1024x128xf32>
      %swap3A_156 = arith.constant 0 : index
      %swap3A_157 = arith.constant 0 : index
      %swap3A_158 = vector.load %arg16[%swap3A_156, %swap3A_157] : memref<1024x128xf32, #tpu.memory_space<vmem>>, vector<1024x128xf32>
      tpu.vector_store %arg16[%swap3A_156, %swap3A_157], %broadcast_in_dim3A_153 {strides = array<i32>} : memref<1024x128xf32, #tpu.memory_space<vmem>>, vector<1024x128xf32>,
      %swap3A_159 = arith.constant 0 : index
      %swap3A_160 = arith.constant 0 : index
      %swap3A_161 = vector.load %arg17[%swap3A_159, %swap3A_160] : memref<1024x128xf32, #tpu.memory_space<vmem>>, vector<1024x128xf32>
      tpu.vector_store %arg17[%swap3A_159, %swap3A_160], %broadcast_in_dim3A_153 {strides = array<i32>} : memref<1024x128xf32, #tpu.memory_space<vmem>>, vector<1024x128xf32>,
      %swap3A_162 = arith.constant 0 : index
      %swap3A_163 = arith.constant 0 : index
      %swap3A_164 = vector.load %arg20[%swap3A_162, %swap3A_163] : memref<1024x128xf32, #tpu.memory_space<vmem>>, vector<1024x128xf32>
      tpu.vector_store %arg20[%swap3A_162, %swap3A_163], %broadcast_in_dim3A_153 {strides = array<i32>} : memref<1024x128xf32, #tpu.memory_space<vmem>>, vector<1024x128xf32>,
      %swap3A_165 = arith.constant 0 : index
      %swap3A_166 = arith.constant 0 : index
      %swap3A_167 = vector.load %arg21[%swap3A_165, %swap3A_166] : memref<1024x128xf32, #tpu.memory_space<vmem>>, vector<1024x128xf32>
      tpu.vector_store %arg21[%swap3A_165, %swap3A_166], %broadcast_in_dim3A_153 {strides = array<i32>} : memref<1024x128xf32, #tpu.memory_space<vmem>>, vector<1024x128xf32>,
      %swap3A_168 = arith.constant 0 : index
      %swap3A_169 = arith.constant 0 : index
      %swap3A_170 = vector.load %arg18[%swap3A_168, %swap3A_169] : memref<1024x128xf32, #tpu.memory_space<vmem>>, vector<1024x128xf32>
      tpu.vector_store %arg18[%swap3A_168, %swap3A_169], %broadcast_in_dim3A_155 {strides = array<i32>} : memref<1024x128xf32, #tpu.memory_space<vmem>>, vector<1024x128xf32>,
      %swap3A_171 = arith.constant 0 : index
      %swap3A_172 = arith.constant 0 : index
      %swap3A_173 = vector.load %arg19[%swap3A_171, %swap3A_172] : memref<1024x128xf32, #tpu.memory_space<vmem>>, vector<1024x128xf32>
      tpu.vector_store %arg19[%swap3A_171, %swap3A_172], %broadcast_in_dim3A_155 {strides = array<i32>} : memref<1024x128xf32, #tpu.memory_space<vmem>>, vector<1024x128xf32>,
    } else {
    }
    %get3A = arith.constant 0 : index
    %get3A_2 = arith.constant 0 : index
    %get3A_3 = arith.constant 0 : index
    %get3A_4 = vector.load %arg1[%get3A, %get3A_2, %get3A_3] : memref<1x1024x208xf32, #tpu.memory_space<vmem>>, vector<1x1024x208xf32>
    %get3A_5 = vector.shape_cast %get3A_4 : vector<1x1024x208xf32> to vector<1024x208xf32>
    %get3A_6 = arith.constant 0 : index
    %get3A_7 = arith.constant 0 : index
    %get3A_8 = vector.load %arg16[%get3A_6, %get3A_7] : memref<1024x128xf32, #tpu.memory_space<vmem>>, vector<1024x128xf32>
    %get3A_9 = arith.constant 0 : index
    %get3A_10 = arith.constant 0 : index
    %get3A_11 = vector.load %arg3[%get3A_9, %get3A_10] : memref<208x384xf32, #tpu.memory_space<vmem>>, vector<208x384xf32>
    %dot_general3A = arith.constant dense<0.000000e+00> : vector<1024x384xf32>
    %dot_general3A_12 = tpu.matmul %get3A_5, %get3A_11, %dot_general3A {dimension_numbers = #tpu.dot_dimension_numbers<[1], [0], [0], [1], [0, 0, 1, 1], [], []>, transpose_lhs_hint = false} : vector<1024x208xf32>, vector<208x384xf32>, vector<1024x384xf32> -> vector<1024x384xf32>
    %get3A_13 = arith.constant 0 : index
    %get3A_14 = arith.constant 0 : index
    %get3A_15 = vector.load %arg4[%get3A_13, %get3A_14] : memref<1x384xf32, #tpu.memory_space<vmem>>, vector<1x384xf32>
    %get3A_16 = vector.shape_cast %get3A_15 : vector<1x384xf32> to vector<384xf32>
    %broadcast_in_dim3A = vector.shape_cast %get3A_16 : vector<384xf32> to vector<1x384xf32>
    %add3A = vector.broadcast %broadcast_in_dim3A : vector<1x384xf32> to vector<1024x384xf32>
    %add3A_17 = arith.addf %dot_general3A_12, %add3A : vector<1024x384xf32>
    %get3A_18 = arith.constant 0 : index
    %get3A_19 = arith.constant 0 : index
    %get3A_20 = vector.load %arg7[%get3A_18, %get3A_19] : memref<128x384xf32, #tpu.memory_space<vmem>>, vector<128x384xf32>
    %dot_general3A_21 = arith.constant dense<0.000000e+00> : vector<1024x384xf32>
    %dot_general3A_22 = tpu.matmul %get3A_8, %get3A_20, %dot_general3A_21 {dimension_numbers = #tpu.dot_dimension_numbers<[1], [0], [0], [1], [0, 0, 1, 1], [], []>, transpose_lhs_hint = false} : vector<1024x128xf32>, vector<128x384xf32>, vector<1024x384xf32> -> vector<1024x384xf32>
    %get3A_23 = arith.constant 0 : index
    %get3A_24 = arith.constant 0 : index
    %get3A_25 = vector.load %arg8[%get3A_23, %get3A_24] : memref<1x384xf32, #tpu.memory_space<vmem>>, vector<1x384xf32>
    %get3A_26 = vector.shape_cast %get3A_25 : vector<1x384xf32> to vector<384xf32>
    %broadcast_in_dim3A_27 = vector.shape_cast %get3A_26 : vector<384xf32> to vector<1x384xf32>
    %add3A_28 = vector.broadcast %broadcast_in_dim3A_27 : vector<1x384xf32> to vector<1024x384xf32>
    %add3A_29 = arith.addf %dot_general3A_22, %add3A_28 : vector<1024x384xf32>
    %slice3A = vector.extract_strided_slice %add3A_17 {offsets = [0, 0], sizes = [1024, 128], strides = [1, 1]} : vector<1024x384xf32> to vector<1024x128xf32>
    %slice3A_30 = vector.extract_strided_slice %add3A_29 {offsets = [0, 0], sizes = [1024, 128], strides = [1, 1]} : vector<1024x384xf32> to vector<1024x128xf32>
    %add3A_31 = arith.addf %slice3A, %slice3A_30 : vector<1024x128xf32>
    %logistic3A = arith.negf %add3A_31 : vector<1024x128xf32>
    %logistic3A_32 = math.exp %logistic3A : vector<1024x128xf32>
    %logistic3A_33 = arith.constant 1.000000e+00 : f32
    %logistic3A_34 = vector.broadcast %logistic3A_33 : f32 to vector<1024x128xf32>
    %logistic3A_35 = arith.addf %logistic3A_34, %logistic3A_32 : vector<1024x128xf32>
    %logistic3A_36 = arith.divf %logistic3A_34, %logistic3A_35 : vector<1024x128xf32>
    %slice3A_37 = vector.extract_strided_slice %add3A_17 {offsets = [0, 128], sizes = [1024, 128], strides = [1, 1]} : vector<1024x384xf32> to vector<1024x128xf32>
    %slice3A_38 = vector.extract_strided_slice %add3A_29 {offsets = [0, 128], sizes = [1024, 128], strides = [1, 1]} : vector<1024x384xf32> to vector<1024x128xf32>
    %add3A_39 = arith.addf %slice3A_37, %slice3A_38 : vector<1024x128xf32>
    %logistic3A_40 = arith.negf %add3A_39 : vector<1024x128xf32>
    %logistic3A_41 = math.exp %logistic3A_40 : vector<1024x128xf32>
    %logistic3A_42 = arith.constant 1.000000e+00 : f32
    %logistic3A_43 = vector.broadcast %logistic3A_42 : f32 to vector<1024x128xf32>
    %logistic3A_44 = arith.addf %logistic3A_43, %logistic3A_41 : vector<1024x128xf32>
    %logistic3A_45 = arith.divf %logistic3A_43, %logistic3A_44 : vector<1024x128xf32>
    %slice3A_46 = vector.extract_strided_slice %add3A_17 {offsets = [0, 256], sizes = [1024, 128], strides = [1, 1]} : vector<1024x384xf32> to vector<1024x128xf32>
    %slice3A_47 = vector.extract_strided_slice %add3A_29 {offsets = [0, 256], sizes = [1024, 128], strides = [1, 1]} : vector<1024x384xf32> to vector<1024x128xf32>
    %mul3A = arith.mulf %logistic3A_36, %slice3A_47 : vector<1024x128xf32>
    %add3A_48 = arith.addf %slice3A_46, %mul3A : vector<1024x128xf32>
    %tanh3A = math.tanh %add3A_48 : vector<1024x128xf32>
    %sub3A = arith.constant 1.000000e+00 : f32
    %sub3A_49 = vector.broadcast %sub3A : f32 to vector<1024x128xf32>
    %sub3A_50 = arith.subf %sub3A_49, %logistic3A_45 : vector<1024x128xf32>
    %mul3A_51 = arith.mulf %sub3A_50, %tanh3A : vector<1024x128xf32>
    %mul3A_52 = arith.mulf %logistic3A_45, %get3A_8 : vector<1024x128xf32>
    %add3A_53 = arith.addf %mul3A_51, %mul3A_52 : vector<1024x128xf32>
    %get3A_54 = arith.constant 0 : index
    %get3A_55 = arith.constant 0 : index
    %get3A_56 = arith.constant 0 : index
    %get3A_57 = vector.load %arg2[%get3A_54, %get3A_55, %get3A_56] : memref<1x1024x208xf32, #tpu.memory_space<vmem>>, vector<1x1024x208xf32>
    %get3A_58 = vector.shape_cast %get3A_57 : vector<1x1024x208xf32> to vector<1024x208xf32>
    %get3A_59 = arith.constant 0 : index
    %get3A_60 = arith.constant 0 : index
    %get3A_61 = vector.load %arg17[%get3A_59, %get3A_60] : memref<1024x128xf32, #tpu.memory_space<vmem>>, vector<1024x128xf32>
    %get3A_62 = arith.constant 0 : index
    %get3A_63 = arith.constant 0 : index
    %get3A_64 = vector.load %arg5[%get3A_62, %get3A_63] : memref<208x384xf32, #tpu.memory_space<vmem>>, vector<208x384xf32>
    %dot_general3A_65 = arith.constant dense<0.000000e+00> : vector<1024x384xf32>
    %dot_general3A_66 = tpu.matmul %get3A_58, %get3A_64, %dot_general3A_65 {dimension_numbers = #tpu.dot_dimension_numbers<[1], [0], [0], [1], [0, 0, 1, 1], [], []>, transpose_lhs_hint = false} : vector<1024x208xf32>, vector<208x384xf32>, vector<1024x384xf32> -> vector<1024x384xf32>
    %get3A_67 = arith.constant 0 : index
    %get3A_68 = arith.constant 0 : index
    %get3A_69 = vector.load %arg6[%get3A_67, %get3A_68] : memref<1x384xf32, #tpu.memory_space<vmem>>, vector<1x384xf32>
    %get3A_70 = vector.shape_cast %get3A_69 : vector<1x384xf32> to vector<384xf32>
    %broadcast_in_dim3A_71 = vector.shape_cast %get3A_70 : vector<384xf32> to vector<1x384xf32>
    %add3A_72 = vector.broadcast %broadcast_in_dim3A_71 : vector<1x384xf32> to vector<1024x384xf32>
    %add3A_73 = arith.addf %dot_general3A_66, %add3A_72 : vector<1024x384xf32>
    %get3A_74 = arith.constant 0 : index
    %get3A_75 = arith.constant 0 : index
    %get3A_76 = vector.load %arg9[%get3A_74, %get3A_75] : memref<128x384xf32, #tpu.memory_space<vmem>>, vector<128x384xf32>
    %dot_general3A_77 = arith.constant dense<0.000000e+00> : vector<1024x384xf32>
    %dot_general3A_78 = tpu.matmul %get3A_61, %get3A_76, %dot_general3A_77 {dimension_numbers = #tpu.dot_dimension_numbers<[1], [0], [0], [1], [0, 0, 1, 1], [], []>, transpose_lhs_hint = false} : vector<1024x128xf32>, vector<128x384xf32>, vector<1024x384xf32> -> vector<1024x384xf32>
    %get3A_79 = arith.constant 0 : index
    %get3A_80 = arith.constant 0 : index
    %get3A_81 = vector.load %arg10[%get3A_79, %get3A_80] : memref<1x384xf32, #tpu.memory_space<vmem>>, vector<1x384xf32>
    %get3A_82 = vector.shape_cast %get3A_81 : vector<1x384xf32> to vector<384xf32>
    %broadcast_in_dim3A_83 = vector.shape_cast %get3A_82 : vector<384xf32> to vector<1x384xf32>
    %add3A_84 = vector.broadcast %broadcast_in_dim3A_83 : vector<1x384xf32> to vector<1024x384xf32>
    %add3A_85 = arith.addf %dot_general3A_78, %add3A_84 : vector<1024x384xf32>
    %slice3A_86 = vector.extract_strided_slice %add3A_73 {offsets = [0, 0], sizes = [1024, 128], strides = [1, 1]} : vector<1024x384xf32> to vector<1024x128xf32>
    %slice3A_87 = vector.extract_strided_slice %add3A_85 {offsets = [0, 0], sizes = [1024, 128], strides = [1, 1]} : vector<1024x384xf32> to vector<1024x128xf32>
    %add3A_88 = arith.addf %slice3A_86, %slice3A_87 : vector<1024x128xf32>
    %logistic3A_89 = arith.negf %add3A_88 : vector<1024x128xf32>
    %logistic3A_90 = math.exp %logistic3A_89 : vector<1024x128xf32>
    %logistic3A_91 = arith.constant 1.000000e+00 : f32
    %logistic3A_92 = vector.broadcast %logistic3A_91 : f32 to vector<1024x128xf32>
    %logistic3A_93 = arith.addf %logistic3A_92, %logistic3A_90 : vector<1024x128xf32>
    %logistic3A_94 = arith.divf %logistic3A_92, %logistic3A_93 : vector<1024x128xf32>
    %slice3A_95 = vector.extract_strided_slice %add3A_73 {offsets = [0, 128], sizes = [1024, 128], strides = [1, 1]} : vector<1024x384xf32> to vector<1024x128xf32>
    %slice3A_96 = vector.extract_strided_slice %add3A_85 {offsets = [0, 128], sizes = [1024, 128], strides = [1, 1]} : vector<1024x384xf32> to vector<1024x128xf32>
    %add3A_97 = arith.addf %slice3A_95, %slice3A_96 : vector<1024x128xf32>
    %logistic3A_98 = arith.negf %add3A_97 : vector<1024x128xf32>
    %logistic3A_99 = math.exp %logistic3A_98 : vector<1024x128xf32>
    %logistic3A_100 = arith.constant 1.000000e+00 : f32
    %logistic3A_101 = vector.broadcast %logistic3A_100 : f32 to vector<1024x128xf32>
    %logistic3A_102 = arith.addf %logistic3A_101, %logistic3A_99 : vector<1024x128xf32>
    %logistic3A_103 = arith.divf %logistic3A_101, %logistic3A_102 : vector<1024x128xf32>
    %slice3A_104 = vector.extract_strided_slice %add3A_73 {offsets = [0, 256], sizes = [1024, 128], strides = [1, 1]} : vector<1024x384xf32> to vector<1024x128xf32>
    %slice3A_105 = vector.extract_strided_slice %add3A_85 {offsets = [0, 256], sizes = [1024, 128], strides = [1, 1]} : vector<1024x384xf32> to vector<1024x128xf32>
    %mul3A_106 = arith.mulf %logistic3A_94, %slice3A_105 : vector<1024x128xf32>
    %add3A_107 = arith.addf %slice3A_104, %mul3A_106 : vector<1024x128xf32>
    %tanh3A_108 = math.tanh %add3A_107 : vector<1024x128xf32>
    %sub3A_109 = arith.constant 1.000000e+00 : f32
    %sub3A_110 = vector.broadcast %sub3A_109 : f32 to vector<1024x128xf32>
    %sub3A_111 = arith.subf %sub3A_110, %logistic3A_103 : vector<1024x128xf32>
    %mul3A_112 = arith.mulf %sub3A_111, %tanh3A_108 : vector<1024x128xf32>
    %mul3A_113 = arith.mulf %logistic3A_103, %get3A_61 : vector<1024x128xf32>
    %add3A_114 = arith.addf %mul3A_112, %mul3A_113 : vector<1024x128xf32>
    %swap3A = arith.constant 0 : index
    %swap3A_115 = arith.constant 0 : index
    %swap3A_116 = vector.load %arg16[%swap3A, %swap3A_115] : memref<1024x128xf32, #tpu.memory_space<vmem>>, vector<1024x128xf32>
    tpu.vector_store %arg16[%swap3A, %swap3A_115], %add3A_53 {strides = array<i32>} : memref<1024x128xf32, #tpu.memory_space<vmem>>, vector<1024x128xf32>,
    %swap3A_117 = arith.constant 0 : index
    %swap3A_118 = arith.constant 0 : index
    %swap3A_119 = vector.load %arg17[%swap3A_117, %swap3A_118] : memref<1024x128xf32, #tpu.memory_space<vmem>>, vector<1024x128xf32>
    tpu.vector_store %arg17[%swap3A_117, %swap3A_118], %add3A_114 {strides = array<i32>} : memref<1024x128xf32, #tpu.memory_space<vmem>>, vector<1024x128xf32>,
    %get3A_120 = arith.constant 0 : index
    %get3A_121 = arith.constant 0 : index
    %get3A_122 = vector.load %arg18[%get3A_120, %get3A_121] : memref<1024x128xf32, #tpu.memory_space<vmem>>, vector<1024x128xf32>
    %max3A = arith.maximumf %get3A_122, %add3A_53 : vector<1024x128xf32>
    %swap3A_123 = arith.constant 0 : index
    %swap3A_124 = arith.constant 0 : index
    %swap3A_125 = vector.load %arg18[%swap3A_123, %swap3A_124] : memref<1024x128xf32, #tpu.memory_space<vmem>>, vector<1024x128xf32>
    tpu.vector_store %arg18[%swap3A_123, %swap3A_124], %max3A {strides = array<i32>} : memref<1024x128xf32, #tpu.memory_space<vmem>>, vector<1024x128xf32>,
    %get3A_126 = arith.constant 0 : index
    %get3A_127 = arith.constant 0 : index
    %get3A_128 = vector.load %arg19[%get3A_126, %get3A_127] : memref<1024x128xf32, #tpu.memory_space<vmem>>, vector<1024x128xf32>
    %max3A_129 = arith.maximumf %get3A_128, %add3A_114 : vector<1024x128xf32>
    %swap3A_130 = arith.constant 0 : index
    %swap3A_131 = arith.constant 0 : index
    %swap3A_132 = vector.load %arg19[%swap3A_130, %swap3A_131] : memref<1024x128xf32, #tpu.memory_space<vmem>>, vector<1024x128xf32>
    tpu.vector_store %arg19[%swap3A_130, %swap3A_131], %max3A_129 {strides = array<i32>} : memref<1024x128xf32, #tpu.memory_space<vmem>>, vector<1024x128xf32>,
    %get3A_133 = arith.constant 0 : index
    %get3A_134 = arith.constant 0 : index
    %get3A_135 = vector.load %arg20[%get3A_133, %get3A_134] : memref<1024x128xf32, #tpu.memory_space<vmem>>, vector<1024x128xf32>
    %add3A_136 = arith.addf %get3A_135, %add3A_53 : vector<1024x128xf32>
    %swap3A_137 = arith.constant 0 : index
    %swap3A_138 = arith.constant 0 : index
    %swap3A_139 = vector.load %arg20[%swap3A_137, %swap3A_138] : memref<1024x128xf32, #tpu.memory_space<vmem>>, vector<1024x128xf32>
    tpu.vector_store %arg20[%swap3A_137, %swap3A_138], %add3A_136 {strides = array<i32>} : memref<1024x128xf32, #tpu.memory_space<vmem>>, vector<1024x128xf32>,
    %get3A_140 = arith.constant 0 : index
    %get3A_141 = arith.constant 0 : index
    %get3A_142 = vector.load %arg21[%get3A_140, %get3A_141] : memref<1024x128xf32, #tpu.memory_space<vmem>>, vector<1024x128xf32>
    %add3A_143 = arith.addf %get3A_142, %add3A_114 : vector<1024x128xf32>
    %swap3A_144 = arith.constant 0 : index
    %swap3A_145 = arith.constant 0 : index
    %swap3A_146 = vector.load %arg21[%swap3A_144, %swap3A_145] : memref<1024x128xf32, #tpu.memory_space<vmem>>, vector<1024x128xf32>
    tpu.vector_store %arg21[%swap3A_144, %swap3A_145], %add3A_143 {strides = array<i32>} : memref<1024x128xf32, #tpu.memory_space<vmem>>, vector<1024x128xf32>,
    %eq3A_147 = arith.constant 49 : i32
    %eq3A_148 = arith.cmpi eq, %arg0, %eq3A_147 : i32
    %convert_element_type3A_149 = arith.extui %eq3A_148 : i1 to i32
    %cond3A_150 = arith.constant 0 : i32
    %cond3A_151 = arith.cmpi ne, %convert_element_type3A_149, %cond3A_150 : i32
    scf.if %cond3A_151 {
      %get3A_152 = arith.constant 0 : index
      %get3A_153 = arith.constant 0 : index
      %get3A_154 = vector.load %arg16[%get3A_152, %get3A_153] : memref<1024x128xf32, #tpu.memory_space<vmem>>, vector<1024x128xf32>
      %get3A_155 = arith.constant 0 : index
      %get3A_156 = arith.constant 0 : index
      %get3A_157 = vector.load %arg17[%get3A_155, %get3A_156] : memref<1024x128xf32, #tpu.memory_space<vmem>>, vector<1024x128xf32>
      %get3A_158 = arith.constant 0 : index
      %get3A_159 = arith.constant 0 : index
      %get3A_160 = vector.load %arg18[%get3A_158, %get3A_159] : memref<1024x128xf32, #tpu.memory_space<vmem>>, vector<1024x128xf32>
      %get3A_161 = arith.constant 0 : index
      %get3A_162 = arith.constant 0 : index
      %get3A_163 = vector.load %arg19[%get3A_161, %get3A_162] : memref<1024x128xf32, #tpu.memory_space<vmem>>, vector<1024x128xf32>
      %get3A_164 = arith.constant 0 : index
      %get3A_165 = arith.constant 0 : index
      %get3A_166 = vector.load %arg20[%get3A_164, %get3A_165] : memref<1024x128xf32, #tpu.memory_space<vmem>>, vector<1024x128xf32>
      %mul3A_167 = arith.constant 2.000000e-02 : f32
      %mul3A_168 = vector.broadcast %mul3A_167 : f32 to vector<1024x128xf32>
      %mul3A_169 = arith.mulf %get3A_166, %mul3A_168 : vector<1024x128xf32>
      %get3A_170 = arith.constant 0 : index
      %get3A_171 = arith.constant 0 : index
      %get3A_172 = vector.load %arg21[%get3A_170, %get3A_171] : memref<1024x128xf32, #tpu.memory_space<vmem>>, vector<1024x128xf32>
      %mul3A_173 = arith.constant 2.000000e-02 : f32
      %mul3A_174 = vector.broadcast %mul3A_173 : f32 to vector<1024x128xf32>
      %mul3A_175 = arith.mulf %get3A_172, %mul3A_174 : vector<1024x128xf32>
      %concatenate3A = tpu.concatenate %get3A_154, %get3A_157, %get3A_160, %get3A_163, %mul3A_169, %mul3A_175 in 1 : vector<1024x128xf32>, vector<1024x128xf32>, vector<1024x128xf32>, vector<1024x128xf32>, vector<1024x128xf32>, vector<1024x128xf32> -> vector<1024x768xf32>
      %get3A_176 = arith.constant 0 : index
      %get3A_177 = arith.constant 0 : index
      %get3A_178 = vector.load %arg11[%get3A_176, %get3A_177] : memref<768x32xf32, #tpu.memory_space<vmem>>, vector<768x32xf32>
      %dot_general3A_179 = arith.constant dense<0.000000e+00> : vector<1024x32xf32>
      %dot_general3A_180 = tpu.matmul %concatenate3A, %get3A_178, %dot_general3A_179 {dimension_numbers = #tpu.dot_dimension_numbers<[1], [0], [0], [1], [0, 0, 1, 1], [], []>, transpose_lhs_hint = false} : vector<1024x768xf32>, vector<768x32xf32>, vector<1024x32xf32> -> vector<1024x32xf32>
      %get3A_181 = arith.constant 0 : index
      %get3A_182 = arith.constant 0 : index
      %get3A_183 = vector.load %arg12[%get3A_181, %get3A_182] : memref<1x32xf32, #tpu.memory_space<vmem>>, vector<1x32xf32>
      %get3A_184 = vector.shape_cast %get3A_183 : vector<1x32xf32> to vector<32xf32>
      %broadcast_in_dim3A_185 = vector.shape_cast %get3A_184 : vector<32xf32> to vector<1x32xf32>
      %add3A_186 = vector.broadcast %broadcast_in_dim3A_185 : vector<1x32xf32> to vector<1024x32xf32>
      %add3A_187 = arith.addf %dot_general3A_180, %add3A_186 : vector<1024x32xf32>
      %max3A_188 = arith.constant 0.000000e+00 : f32
      %max3A_189 = vector.broadcast %max3A_188 : f32 to vector<1024x32xf32>
      %max3A_190 = arith.maximumf %add3A_187, %max3A_189 : vector<1024x32xf32>
      %get3A_191 = arith.constant 0 : index
      %get3A_192 = arith.constant 0 : index
      %get3A_193 = vector.load %arg13[%get3A_191, %get3A_192] : memref<1x32xf32, #tpu.memory_space<vmem>>, vector<1x32xf32>
      %get3A_194 = vector.shape_cast %get3A_193 : vector<1x32xf32> to vector<32xf32>
      %broadcast_in_dim3A_195 = vector.shape_cast %get3A_194 : vector<32xf32> to vector<1x32xf32>
      %mul3A_196 = vector.broadcast %broadcast_in_dim3A_195 : vector<1x32xf32> to vector<1024x32xf32>
      %mul3A_197 = arith.mulf %max3A_190, %mul3A_196 : vector<1024x32xf32>
      %reduce_sum3A = arith.constant dense<0.000000e+00> : vector<1024xf32>
      %reduce_sum3A_198 = vector.multi_reduction <add>, %mul3A_197, %reduce_sum3A [1] : vector<1024x32xf32> to vector<1024xf32>
      %broadcast_in_dim3A_199 = vector.shape_cast %reduce_sum3A_198 : vector<1024xf32> to vector<1024x1xf32>
      %get3A_200 = arith.constant 0 : index
      %get3A_201 = arith.constant 0 : index
      %get3A_202 = vector.load %arg14[%get3A_200, %get3A_201] : memref<1x1xf32, #tpu.memory_space<vmem>>, vector<1x1xf32>
      %get3A_203 = vector.shape_cast %get3A_202 : vector<1x1xf32> to vector<1xf32>
      %broadcast_in_dim3A_204 = vector.shape_cast %get3A_203 : vector<1xf32> to vector<1x1xf32>
      %add3A_205 = vector.broadcast %broadcast_in_dim3A_204 : vector<1x1xf32> to vector<1024x1xf32>
      %add3A_206 = arith.addf %broadcast_in_dim3A_199, %add3A_205 : vector<1024x1xf32>
      %swap3A_207 = arith.constant 0 : index
      %swap3A_208 = arith.constant 0 : index
      %swap3A_209 = vector.load %arg15[%swap3A_207, %swap3A_208] : memref<1024x1xf32, #tpu.memory_space<vmem>>, vector<1024x1xf32>
      tpu.vector_store %arg15[%swap3A_207, %swap3A_208], %add3A_206 {strides = array<i32>} : memref<1024x1xf32, #tpu.memory_space<vmem>>, vector<1024x1xf32>,
    } else {
    }
    return
  }
  func.func @transform_0(%arg0: i32) -> (i32, i32, i32) {
    %c0_i32 = arith.constant 0 : i32
    %c0_i32_0 = arith.constant 0 : i32
    %c0_i32_1 = arith.constant 0 : i32
    return %arg0, %c0_i32, %c0_i32_0 : i32, i32, i32
  }
  func.func @transform_1(%arg0: i32) -> (i32, i32, i32) {
    %sub3A = arith.constant 49 : i32
    %sub3A_0 = arith.subi %sub3A, %arg0 : i32
    %c0_i32 = arith.constant 0 : i32
    %c0_i32_1 = arith.constant 0 : i32
    %c0_i32_2 = arith.constant 0 : i32
    return %sub3A_0, %c0_i32, %c0_i32_1 : i32, i32, i32
  }
  func.func @transform_2(%arg0: i32) -> (i32, i32) {
    %c0_i32 = arith.constant 0 : i32
    %c0_i32_0 = arith.constant 0 : i32
    %c0_i32_1 = arith.constant 0 : i32
    return %c0_i32, %c0_i32_0 : i32, i32
  }
  func.func @transform_3(%arg0: i32) -> (i32, i32) {
    %c0_i32 = arith.constant 0 : i32
    %c0_i32_0 = arith.constant 0 : i32
    %c0_i32_1 = arith.constant 0 : i32
    return %c0_i32, %c0_i32_0 : i32, i32
  }
  func.func @transform_4(%arg0: i32) -> (i32, i32) {
    %c0_i32 = arith.constant 0 : i32
    %c0_i32_0 = arith.constant 0 : i32
    %c0_i32_1 = arith.constant 0 : i32
    return %c0_i32, %c0_i32_0 : i32, i32
  }
  func.func @transform_5(%arg0: i32) -> (i32, i32) {
    %c0_i32 = arith.constant 0 : i32
    %c0_i32_0 = arith.constant 0 : i32
    %c0_i32_1 = arith.constant 0 : i32
    return %c0_i32, %c0_i32_0 : i32, i32
  }
  func.func @transform_6(%arg0: i32) -> (i32, i32) {
    %c0_i32 = arith.constant 0 : i32
    %c0_i32_0 = arith.constant 0 : i32
    %c0_i32_1 = arith.constant 0 : i32
    return %c0_i32, %c0_i32_0 : i32, i32
  }
  func.func @transform_7(%arg0: i32) -> (i32, i32) {
    %c0_i32 = arith.constant 0 : i32
    %c0_i32_0 = arith.constant 0 : i32
    %c0_i32_1 = arith.constant 0 : i32
    return %c0_i32, %c0_i32_0 : i32, i32
  }
  func.func @transform_8(%arg0: i32) -> (i32, i32) {
    %c0_i32 = arith.constant 0 : i32
    %c0_i32_0 = arith.constant 0 : i32
    %c0_i32_1 = arith.constant 0 : i32
    return %c0_i32, %c0_i32_0 : i32, i32
  }
  func.func @transform_9(%arg0: i32) -> (i32, i32) {
    %c0_i32 = arith.constant 0 : i32
    %c0_i32_0 = arith.constant 0 : i32
    %c0_i32_1 = arith.constant 0 : i32
    return %c0_i32, %c0_i32_0 : i32, i32
  }
  func.func @transform_10(%arg0: i32) -> (i32, i32) {
    %c0_i32 = arith.constant 0 : i32
    %c0_i32_0 = arith.constant 0 : i32
    %c0_i32_1 = arith.constant 0 : i32
    return %c0_i32, %c0_i32_0 : i32, i32
  }
  func.func @transform_11(%arg0: i32) -> (i32, i32) {
    %c0_i32 = arith.constant 0 : i32
    %c0_i32_0 = arith.constant 0 : i32
    %c0_i32_1 = arith.constant 0 : i32
    return %c0_i32, %c0_i32_0 : i32, i32
  }
  func.func @transform_12(%arg0: i32) -> (i32, i32) {
    %c0_i32 = arith.constant 0 : i32
    %c0_i32_0 = arith.constant 0 : i32
    %c0_i32_1 = arith.constant 0 : i32
    return %c0_i32, %c0_i32_0 : i32, i32
  }
  func.func @transform_13(%arg0: i32) -> (i32, i32) {
    %c0_i32 = arith.constant 0 : i32
    %c0_i32_0 = arith.constant 0 : i32
    %c0_i32_1 = arith.constant 0 : i32
    return %c0_i32, %c0_i32_0 : i32, i32
  }
  func.func @transform_14(%arg0: i32) -> (i32, i32) {
    %c0_i32 = arith.constant 0 : i32
    %c0_i32_0 = arith.constant 0 : i32
    %c0_i32_1 = arith.constant 0 : i32
    return %c0_i32, %c0_i32_0 : i32, i32
  }
}

</mosaic_0001>

<sc_bundles>
// kernel: kernel.4.cloned.1.call-start
scs
__scs_entry_jumppad:
0x0: {  	(pc) =	sbr.rel $0x88, $3  }
0x1: {  	(tag) =	ssettag $0x0;
	lr =	simm.s32 $0x1  }
0x2: {  	[smem:$0x3F93] =	sst lr;
	_ =	strace $0xD0000000  }
0x3: {  	_ = 	snop  }
0x4: {  	_ = 	snop  }
0x5: {  	_ = 	snop  }
0x6: {  	_ = 	snop  }
0x7: {  	_ = 	snop  }
__scs_overlays_trampoline_lowered:
0x8: {  	[smem:$0x3FA2] =	sst s0  }
0x9: {  	[smem:$0x3FA3] =	sst s1  }
0xa: {  	[smem:$0x3FA4] =	sst s2  }
0xb: {  	[smem:$0x3FA5] =	sst s3  }
0xc: {  	[smem:$0x3FA6] =	sst s4  }
0xd: {  	[smem:$0x3FA7] =	sst s5  }
0xe: {  	[smem:$0x3FA8] =	sst s6  }
0xf: {  	[smem:$0x3FA9] =	sst s7  }
0x10: {  	[smem:$0x3FAA] =	sst s8  }
0x11: {  	[smem:$0x3FAB] =	sst s9;
	s0 =	simm.s32 @!p0 $0x0  }
0x12: {  	s1 =	sld [smem:$0x3F91];
	s0 =	simm.s32 @p0 $0x1  }
0x13: {  	[smem:$0x3FAC] =	sst s0;
	s0 =	simm.s32 @!p1 $0x0  }
0x14: {  	s2 =	sld [smem:$0x3F90];
	s0 =	simm.s32 @p1 $0x1  }
0x15: {  	[smem:$0x3FAD] =	sst s0;
	s0 =	simm.s32 @!p2 $0x0  }
0x16: {  	s3 =	sld [smem:$0x3FDB];
	s0 =	simm.s32 @p2 $0x1  }
0x17: {  	s4 =	simm.s32 $0x1BF5;
	[smem:$0x3FAF] =	sst s0  }
0x18: {  	s0 =	sld [smem:$0x3F92];
	_ =	swait.ge [sflag:s4], $0x0  }
0x19: {  	s7 =	sld [smem:$0x3F93]  }
0x1a: {  	s8 =	sadd.s32 $0xFFFFE003, lr  }
0x1b: {  	s9 =	sadd.s32 $0xFFFFFEF7, lr;
	s5 =	simm.s32 $0xFFFFFFFF;
	p2 =	slt.u32 s8, $0xFFFFF086  }
0x1c: {  	p1 =	slt.u32 s9, $0xF7A;
	s5 =	simm.s32 @!p2 $0x0  }
0x1d: {  	s5 =	simm.s32 @p1 $0x1;
	p0 =	seq.s32 s7, s2  }
0x1e: {  	s7 =	smul.u32 @!p0 $0xF7A, s2;
	p2 =	seq.s32 @!p0 s5, $0x0  }
0x1f: {  	s9 =	smul.u32 $0xF7A, s1;
	s8 =	simm.s32 @!p0 $0x1BF5;
	p2 =	por !p2, p0  }
0x20: {  	[sflag:s8] =	ssyncset.s32 @!p0 $0xFFFFF086;
	s6 =	sadd.s32 @!p0 s3, s7;
	s7 =	simm.s32 @!p0 $0x108  }
0x21: {  	s3 =	sadd.s32 s3, s9;
	s6 =	sadd.s32 @!p0 $0x88, s6;
	s7 =	simm.s32 @p2 $0x1082  }
0x22: {  	[simem:s7], [sflag:s8] =	dma.local @!p0 [hbm:s6], $0xF7A  }
0x23: {  	s9 =	sor.u32 $0xD0000000, s2;
	s6 =	simm.s32 $0x108;
	_ =	swait.ge @!p0 [sflag:s8], $0x0  }
0x24: {  	s3 =	sadd.s32 $0x88, s3;
	s6 =	simm.s32 @!p1 $0x1082;
	[sflag:s4] =	ssyncset.s32 $0xFFFFF086  }
0x25: {  	[simem:s6], [sflag:s4] =	dma.local [hbm:s3], $0xF7A  }
0x26: {  	[smem:$0x3F93] =	sst s1;
	(tag) =	ssettag s2;
	_ =	strace s9  }
0x27: {  	s1 =	sld [smem:$0x3FA3]  }
0x28: {  	s2 =	sld [smem:$0x3FA4]  }
0x29: {  	s4 =	sld [smem:$0x3FA6]  }
0x2a: {  	p0 =	seq.s32 s5, $0x0;
	s5 =	sld [smem:$0x3FA7]  }
0x2b: {  	s6 =	sld [smem:$0x3FA8]  }
0x2c: {  	s7 =	sld [smem:$0x3FA9]  }
0x2d: {  	s3 =	simm.s32 $0x108;
	s8 =	sld [smem:$0x3FAA]  }
0x2e: {  	s3 =	simm.s32 @!p0 $0x1082;
	s9 =	sld [smem:$0x3FAB]  }
0x2f: {  	lr =	sadd.s32 s0, s3;
	s0 =	sld [smem:$0x3FA2]  }
0x30: {  	s3 =	sld [smem:$0x3FA5]  }
0x31: {  	[smem:$0x3FAE] =	sst s10  }
0x32: {  	s10 =	sld [smem:$0x3FAC];
	_ =	sdelay $0x3  }
0x33: {  	p0 =	seq.s32 s10, $0x1;
	s10 =	sld [smem:$0x3FAE];
	_ =	sdelay $0x3  }
0x34: {  	[smem:$0x3FAE] =	sst s10  }
0x35: {  	s10 =	sld [smem:$0x3FAD];
	_ =	sdelay $0x3  }
0x36: {  	p1 =	seq.s32 s10, $0x1;
	s10 =	sld [smem:$0x3FAE];
	_ =	sdelay $0x3  }
0x37: {  	[smem:$0x3FAE] =	sst s10  }
0x38: {  	s10 =	sld [smem:$0x3FAF]  }
0x39: {  	_ = 	snop;
	(pc) =	sbr.ind lr, $3  }
0x3a: {  	_ = 	snop  }
0x3b: {  	_ = 	snop  }
0x3c: {  	p2 =	seq.s32 s10, $0x1;
	s10 =	sld [smem:$0x3FAE]  }
0x3d: {  	_ =	shalt  }
0x3e: {  	_ =	shalt  }
0x3f: {  	_ =	shalt  }
0x40: {  	_ =	shalt  }
0x41: {  	_ =	shalt  }
0x42: {  	_ =	shalt  }
0x43: {  	_ =	shalt  }
0x44: {  	_ =	shalt  }
0x45: {  	_ =	shalt  }
0x46: {  	_ =	shalt  }
0x47: {  	_ =	shalt  }
0x48: {  	_ =	shalt  }
0x49: {  	_ =	shalt  }
0x4a: {  	_ =	shalt  }
0x4b: {  	_ =	shalt  }
0x4c: {  	_ =	shalt  }
0x4d: {  	_ =	shalt  }
0x4e: {  	_ =	shalt  }
0x4f: {  	_ =	shalt  }
0x50: {  	_ =	shalt  }
0x51: {  	_ =	shalt  }
0x52: {  	_ =	shalt  }
0x53: {  	_ =	shalt  }
0x54: {  	_ =	shalt  }
0x55: {  	_ =	shalt  }
0x56: {  	_ =	shalt  }
0x57: {  	_ =	shalt  }
0x58: {  	_ =	shalt  }
0x59: {  	_ =	shalt  }
0x5a: {  	_ =	shalt  }
0x5b: {  	_ =	shalt  }
0x5c: {  	_ =	shalt  }
0x5d: {  	_ =	shalt  }
0x5e: {  	_ =	shalt  }
0x5f: {  	_ =	shalt  }
0x60: {  	_ =	shalt  }
0x61: {  	_ =	shalt  }
0x62: {  	_ =	shalt  }
0x63: {  	_ =	shalt  }
0x64: {  	_ =	shalt  }
0x65: {  	_ =	shalt  }
0x66: {  	_ =	shalt  }
0x67: {  	_ =	shalt  }
0x68: {  	_ =	shalt  }
0x69: {  	_ =	shalt  }
0x6a: {  	_ =	shalt  }
0x6b: {  	_ =	shalt  }
0x6c: {  	_ =	shalt  }
0x6d: {  	_ =	shalt  }
0x6e: {  	_ =	shalt  }
0x6f: {  	_ =	shalt  }
0x70: {  	_ =	shalt  }
0x71: {  	_ =	shalt  }
0x72: {  	_ =	shalt  }
0x73: {  	_ =	shalt  }
0x74: {  	_ =	shalt  }
0x75: {  	_ =	shalt  }
0x76: {  	_ =	shalt  }
0x77: {  	_ =	shalt  }
0x78: {  	_ =	shalt  }
0x79: {  	_ =	shalt  }
0x7a: {  	_ =	shalt  }
0x7b: {  	_ =	shalt  }
0x7c: {  	_ =	shalt  }
0x7d: {  	_ =	shalt  }
0x7e: {  	_ =	shalt  }
0x7f: {  	_ =	shalt  }
0x80: {  	_ =	shalt  }
0x81: {  	_ =	shalt  }
0x82: {  	_ =	shalt  }
0x83: {  	_ =	shalt  }
0x84: {  	_ =	shalt  }
0x85: {  	_ =	shalt  }
0x86: {  	_ =	shalt  }
0x87: {  	_ =	shalt  }
.Lfunc_end0:
.L_simem_size_0:
called_computation_lowered:
.L_overlay_start_0:
0x88: {  	s2 =	sld [smem:$0x3FD9]  }
0x89: {  	s3 =	sld [smem:$0x3FFE];
	_ =	sdelay $0x1  }
0x8a: {  	s1 =	srdreg.scid  }
0x8b: {  	s0 =	sand.u32 $0x1, s1  }
0x8c: {  	s16 =	sshll.u32 s0, $0xA;
	s2 =	sadd.s32 s3, s2  }
0x8d: {  	s2 =	sadd.s32 s2, s16  }
0x8e: {  	[smem:$0x3FBA] =	sst s2  }
0x8f: {  	_ = 	snop  }
0x90: {  	(tm) =	ssettm $0x1  }
0x91: {  	s17 =	sld [smem:$0x3FFB];
	_ =	sdelay $0x3  }
0x92: {  	_ =	strace s17  }
0x93: {  	s2 =	sld [smem:$0x3FFC];
	_ =	sdelay $0x3  }
0x94: {  	_ =	strace s2  }
0x95: {  	s2 =	sld [smem:$0x3FFD];
	_ =	sdelay $0x3  }
0x96: {  	_ =	strace s2  }
0x97: {  	_ =	strace $0x8FFFFFFF  }
0x98: {  	s18 =	sld [smem:$0x3FDB];
	_ =	sdelay $0x1  }
0x99: {  	s19 =	simm.s32 $_scs_section_size  }
0x9a: {  	s4 =	simm.s32 $_size__tile_overlayer_lowered;
	s5 =	simm.s32 $_tile_overlayer_lowered  }
0x9b: {  	s22 =	simm.s32 $0x1BFF;
	s21 =	sshll.u32 s5, $0x1;
	s2 =	sadd.s32 s19, s18  }
0x9c: {  	s6 =	simm.s32 $0x0;
	s20 =	sshll.u32 s4, $0x1;
	s4 =	sadd.s32 s21, s2  }
0x9d: {  	[timem:s6], [sflag:s22] =	dma.local [hbm:s4], s20  }
0x9e: {  	_ =	swait.ge [sflag:s22], s20  }
0x9f: {  	s3 =	ssub.s32 $0x0, s20;
	[sflag:s22] =	ssyncset.done $0x0  }
0xa0: {  	[sflag:s22] =	ssyncadd.s32 s3;
	_ =	sdelay $0x1  }
0xa1: {  	s23 =	simm.s32 $0x1B8B  }
0xa2: {  	_ =	swait.ge [sflag:s23], $0x1  }
0xa3: {  	[sflag:s23] =	ssyncset.done $0x0  }
0xa4: {  	s25 =	simm.s32 $0x1B8E;
	s24 =	sld [smem:$0x3FFE];
	[sflag:s23] =	ssyncadd.s32 $0xFFFFFFFF  }
0xa5: {  	s26 =	simm.s32 $execute0_lowered;
	[smem:$0x3FD2] =	sst s25  }
0xa6: {  	s4 =	sshll.u32 s26, $0x1;
	_ =	strace $0x80000046;
	[dreg:$0x1] =	wrdreg $0xFFFFFFFF  }
0xa7: {  	s28 =	simm.s32 $_size_execute0_lowered;
	s2 =	sadd.s32 s2, s4;
	[dreg:$0x0] =	wrdreg $0x0  }
0xa8: {  	s4 =	sshll.u32 s28, $0x1;
	[dreg:$0x2] =	wrdreg s2  }
0xa9: {  	[dreg:$0x3] =	wrdreg s4  }
0xaa: {  	[dreg:$0x4] =	wrdreg $0xC0  }
0xab: {  	_ =	task [dreg:s6], $0x5FFFF  }
0xac: {  	[dreg:$0x1] =	wrdreg $0xFFFFFFFF  }
0xad: {  	[dreg:$0x0] =	wrdreg $0x60  }
0xae: {  	[dreg:$0x2] =	wrdreg s24  }
0xaf: {  	[dreg:$0x3] =	wrdreg $0x9  }
0xb0: {  	_ =	task.clear_ibuf [dreg:s6], $0x4FFFF;
	_ =	strace $0x90000046  }
0xb1: {  	s29 =	simm.s32 $0x9;
	_ =	strace $0x80000048  }
0xb2: {  	_ =	swait.ge [sflag:s29], $0x1  }
0xb3: {  	[sflag:s29] =	ssyncadd.s32 $0xFFFFFFFF  }
0xb4: {  	_ =	strace $0x90000048  }
0xb5: {  	_ =	sfence  }
0xb6: {  	s30 =	sld [smem:$0x0];
	_ =	sdelay $0x2  }
0xb7: {  	s31 =	sshll.u32 s1, $0xD;
	s1 =	sshrl.u32 s1, $0x2  }
0xb8: {  	s3 =	sand.u32 $0x4000, s31;
	s1 =	sadd.s32 s1, s30  }
0xb9: {  	s0 =	sor.u32 s3, s0;
	s1 =	sshll.u32 s1, $0x11  }
0xba: {  	s0 =	sor.u32 s1, s0  }
0xbb: {  	s0 =	sadd.s32 $0x8F2B, s0  }
0xbc: {  	[sflag:s0] =	ssyncadd.remote.s32 $0x1  }
0xbd: {  	_ =	sfence.sel $0xFFFF  }
0xbe: {  	[dreg:$0x0] =	wrdreg $0xFFFFFFFF;
	(pc) =	sbr.abs _section_cstart, $3  }
0xbf: {  	[dreg:$0x1] =	wrdreg $0xFFFFFFFF  }
0xc0: {  	_ =	task.clear_ibuf [dreg:s6], $0x2FFFF;
	_ =	strace $0x9FFFFFFF  }
0xc1: {  	(tm) =	ssettm $0x7FFFFFFF  }
tec
execute0_lowered:
.L_overlay_start_1:
0x0: {  	(tag) =	ssettag $0x1  }
0x1: {  	s1 =	srdreg.scid;
	s0 =	stileid.u32  }
0x2: {  	s29 =	sand.u32 $0x1, s1;
	s30 =	sshll.u32 s0, $0x1  }
0x3: {  	s10 =	rddreg [dreg:$0x0];
	s3 =	sor.u32 s29, s30  }
0x4: {  	s2 =	simm.s32 $0x0;
	s1 =	rddreg [dreg:$0x1];
	s26 =	smul.u32 $0xA280, s3  }
0x5: {  	[smem:$0x7FF] =	sst s2  }
0x6: {  	s25 =	sadd.s32 $0x1C00, s10;
	s3 =	sshrl.u32 s26, $0x3;
	s14 =	sadd.s32 $0x1450, s26  }
0x7: {  	_ =	strace $0x80000047;
	s3 =	sadd.s32 s25, s3;
	s4 =	sshrl.u32 s14, $0x3  }
0x8: {  	[tilespmem:s2], [sflag:$0x1] =	stream.linear.gather [hbm4b:s3+s2], $0x1450, $0x38;
	[tilespmem:$0x16DA0] =	vst v63  }
0x9: {  	s5 =	simm.s32 $0x1450;
	s6 =	simm.s32 $0x1;
	s4 =	sadd.s32 s25, s4  }
0xa: {  	[tilespmem:s5], [sflag:$0x2] =	stream.linear.gather [hbm4b:s4+s2], $0x1450, $0x38;
	[tilespmem:$0x16DA0] =	vst v63  }
0xb: {  	_ =	swait.ge [sflag:s6], $0x1450  }
0xc: {  	s8 =	simm.s32 $0x28A0;
	[sflag:s6] =	ssyncset.done $0x0  }
0xd: {  	s9 =	simm.s32 $0x3;
	s7 =	sadd.s32 $0x2A600, s10;
	[sflag:s6] =	ssyncadd.s32 $0xFFFFEBB0  }
0xe: {  	[tilespmem:s8], [sflag:$0x3] =	stream.indirect.gather [hbm4b:s7+s5], $0x8, s2, s5, $0xb8;
	[tilespmem:$0x16DA0] =	vst v63  }
0xf: {  	_ =	swait.ge [sflag:s9], $0xA280  }
0x10: {  	s28 =	sadd.s32 $0x2B200, s10;
	s17 =	sadd.s32 $0x28A0, s26;
	[sflag:s9] =	ssyncset.done $0x0  }
0x11: {  	s10 =	sadd.s32 s28, s26;
	s11 =	sshrl.u32 s17, $0x3;
	[sflag:s9] =	ssyncadd.s32 $0xFFFF5D80  }
0x12: {  	[hbm4b:s10+s2] =	stream.linear.scatter [tilespmem:s8], [sflag:$0x4], $0xA280, $0x38;
	[tilespmem:$0x16DA0] =	vst v63  }
0x13: {  	s12 =	simm.s32 $0x2;
	s11 =	sadd.s32 s25, s11  }
0x14: {  	[tilespmem:s2], [sflag:$0x1] =	stream.linear.gather [hbm4b:s11+s2], $0x1450, $0x38;
	[tilespmem:$0x16DA0] =	vst v63  }
0x15: {  	_ =	swait.ge [sflag:s12], $0x1450  }
0x16: {  	[sflag:s12] =	ssyncset.done $0x0  }
0x17: {  	s13 =	simm.s32 $0xCB20;
	[sflag:s12] =	ssyncadd.s32 $0xFFFFEBB0  }
0x18: {  	[tilespmem:s13], [sflag:$0x3] =	stream.indirect.gather [hbm4b:s7+s5], $0x8, s5, s5, $0xb8;
	[tilespmem:$0x16DA0] =	vst v63  }
0x19: {  	_ =	swait.ge [sflag:s9], $0xA280  }
0x1a: {  	s20 =	sadd.s32 $0x3CF0, s26;
	[sflag:s9] =	ssyncset.done $0x0  }
0x1b: {  	s14 =	sadd.s32 s28, s14;
	s15 =	sshrl.u32 s20, $0x3;
	[sflag:s9] =	ssyncadd.s32 $0xFFFF5D80  }
0x1c: {  	[hbm4b:s14+s2] =	stream.linear.scatter [tilespmem:s13], [sflag:$0x5], $0xA280, $0x38;
	[tilespmem:$0x16DA0] =	vst v63  }
0x1d: {  	s15 =	sadd.s32 s25, s15  }
0x1e: {  	[tilespmem:s5], [sflag:$0x2] =	stream.linear.gather [hbm4b:s15+s2], $0x1450, $0x38;
	[tilespmem:$0x16DA0] =	vst v63  }
0x1f: {  	_ =	swait.ge [sflag:s6], $0x1450  }
0x20: {  	[sflag:s6] =	ssyncset.done $0x0  }
0x21: {  	s16 =	simm.s32 $0x4;
	[sflag:s6] =	ssyncadd.s32 $0xFFFFEBB0  }
0x22: {  	_ =	swait.ge [sflag:s16], $0xA280  }
0x23: {  	[sflag:s16] =	ssyncset.done $0x0  }
0x24: {  	[sflag:s16] =	ssyncadd.s32 $0xFFFF5D80  }
0x25: {  	[tilespmem:s8], [sflag:$0x3] =	stream.indirect.gather [hbm4b:s7+s5], $0x8, s2, s5, $0xb8;
	[tilespmem:$0x16DA0] =	vst v63  }
0x26: {  	_ =	swait.ge [sflag:s9], $0xA280  }
0x27: {  	s22 =	sadd.s32 $0x5140, s26;
	[sflag:s9] =	ssyncset.done $0x0  }
0x28: {  	s17 =	sadd.s32 s28, s17;
	s18 =	sshrl.u32 s22, $0x3;
	[sflag:s9] =	ssyncadd.s32 $0xFFFF5D80  }
0x29: {  	[hbm4b:s17+s2] =	stream.linear.scatter [tilespmem:s8], [sflag:$0x4], $0xA280, $0x38;
	[tilespmem:$0x16DA0] =	vst v63  }
0x2a: {  	s18 =	sadd.s32 s25, s18  }
0x2b: {  	[tilespmem:s2], [sflag:$0x1] =	stream.linear.gather [hbm4b:s18+s2], $0x1450, $0x38;
	[tilespmem:$0x16DA0] =	vst v63  }
0x2c: {  	_ =	swait.ge [sflag:s12], $0x1450  }
0x2d: {  	[sflag:s12] =	ssyncset.done $0x0  }
0x2e: {  	s19 =	simm.s32 $0x5;
	[sflag:s12] =	ssyncadd.s32 $0xFFFFEBB0  }
0x2f: {  	_ =	swait.ge [sflag:s19], $0xA280  }
0x30: {  	[sflag:s19] =	ssyncset.done $0x0  }
0x31: {  	[sflag:s19] =	ssyncadd.s32 $0xFFFF5D80  }
0x32: {  	[tilespmem:s13], [sflag:$0x3] =	stream.indirect.gather [hbm4b:s7+s5], $0x8, s5, s5, $0xb8;
	[tilespmem:$0x16DA0] =	vst v63  }
0x33: {  	_ =	swait.ge [sflag:s9], $0xA280  }
0x34: {  	s24 =	sadd.s32 $0x6590, s26;
	[sflag:s9] =	ssyncset.done $0x0  }
0x35: {  	s20 =	sadd.s32 s28, s20;
	s21 =	sshrl.u32 s24, $0x3;
	[sflag:s9] =	ssyncadd.s32 $0xFFFF5D80  }
0x36: {  	[hbm4b:s20+s2] =	stream.linear.scatter [tilespmem:s13], [sflag:$0x5], $0xA280, $0x38;
	[tilespmem:$0x16DA0] =	vst v63  }
0x37: {  	s21 =	sadd.s32 s25, s21  }
0x38: {  	[tilespmem:s5], [sflag:$0x2] =	stream.linear.gather [hbm4b:s21+s2], $0x1450, $0x38;
	[tilespmem:$0x16DA0] =	vst v63  }
0x39: {  	_ =	swait.ge [sflag:s6], $0x1450  }
0x3a: {  	[sflag:s6] =	ssyncset.done $0x0  }
0x3b: {  	[sflag:s6] =	ssyncadd.s32 $0xFFFFEBB0  }
0x3c: {  	_ =	swait.ge [sflag:s16], $0xA280  }
0x3d: {  	[sflag:s16] =	ssyncset.done $0x0  }
0x3e: {  	[sflag:s16] =	ssyncadd.s32 $0xFFFF5D80  }
0x3f: {  	[tilespmem:s8], [sflag:$0x3] =	stream.indirect.gather [hbm4b:s7+s5], $0x8, s2, s5, $0xb8;
	[tilespmem:$0x16DA0] =	vst v63  }
0x40: {  	_ =	swait.ge [sflag:s9], $0xA280  }
0x41: {  	s30 =	sadd.s32 $0x79E0, s26;
	[sflag:s9] =	ssyncset.done $0x0  }
0x42: {  	s22 =	sadd.s32 s28, s22;
	s23 =	sshrl.u32 s30, $0x3;
	[sflag:s9] =	ssyncadd.s32 $0xFFFF5D80  }
0x43: {  	[hbm4b:s22+s2] =	stream.linear.scatter [tilespmem:s8], [sflag:$0x4], $0xA280, $0x38;
	[tilespmem:$0x16DA0] =	vst v63  }
0x44: {  	s23 =	sadd.s32 s25, s23  }
0x45: {  	[tilespmem:s2], [sflag:$0x1] =	stream.linear.gather [hbm4b:s23+s2], $0x1450, $0x38;
	[tilespmem:$0x16DA0] =	vst v63  }
0x46: {  	_ =	swait.ge [sflag:s12], $0x1450  }
0x47: {  	[sflag:s12] =	ssyncset.done $0x0  }
0x48: {  	[sflag:s12] =	ssyncadd.s32 $0xFFFFEBB0  }
0x49: {  	_ =	swait.ge [sflag:s19], $0xA280  }
0x4a: {  	[sflag:s19] =	ssyncset.done $0x0  }
0x4b: {  	[sflag:s19] =	ssyncadd.s32 $0xFFFF5D80  }
0x4c: {  	[tilespmem:s13], [sflag:$0x3] =	stream.indirect.gather [hbm4b:s7+s5], $0x8, s5, s5, $0xb8;
	[tilespmem:$0x16DA0] =	vst v63  }
0x4d: {  	_ =	swait.ge [sflag:s9], $0xA280  }
0x4e: {  	s31 =	sadd.s32 $0x8E30, s26;
	[sflag:s9] =	ssyncset.done $0x0  }
0x4f: {  	s24 =	sadd.s32 s28, s24;
	s26 =	sshrl.u32 s31, $0x3;
	[sflag:s9] =	ssyncadd.s32 $0xFFFF5D80  }
0x50: {  	[hbm4b:s24+s2] =	stream.linear.scatter [tilespmem:s13], [sflag:$0x5], $0xA280, $0x38;
	[tilespmem:$0x16DA0] =	vst v63  }
0x51: {  	s25 =	sadd.s32 s25, s26  }
0x52: {  	[tilespmem:s5], [sflag:$0x2] =	stream.linear.gather [hbm4b:s25+s2], $0x1450, $0x38;
	[tilespmem:$0x16DA0] =	vst v63  }
0x53: {  	_ =	swait.ge [sflag:s6], $0x1450  }
0x54: {  	[sflag:s6] =	ssyncset.done $0x0  }
0x55: {  	[sflag:s6] =	ssyncadd.s32 $0xFFFFEBB0  }
0x56: {  	_ =	swait.ge [sflag:s16], $0xA280  }
0x57: {  	[sflag:s16] =	ssyncset.done $0x0  }
0x58: {  	[sflag:s16] =	ssyncadd.s32 $0xFFFF5D80  }
0x59: {  	[tilespmem:s8], [sflag:$0x3] =	stream.indirect.gather [hbm4b:s7+s5], $0x8, s2, s5, $0xb8;
	[tilespmem:$0x16DA0] =	vst v63  }
0x5a: {  	_ =	swait.ge [sflag:s9], $0xA280  }
0x5b: {  	[sflag:s9] =	ssyncset.done $0x0  }
0x5c: {  	s26 =	sadd.s32 s28, s30;
	[sflag:s9] =	ssyncadd.s32 $0xFFFF5D80  }
0x5d: {  	[hbm4b:s26+s2] =	stream.linear.scatter [tilespmem:s8], [sflag:$0x4], $0xA280, $0x38;
	[tilespmem:$0x16DA0] =	vst v63  }
0x5e: {  	_ =	swait.ge [sflag:s12], $0x1450  }
0x5f: {  	[sflag:s12] =	ssyncset.done $0x0  }
0x60: {  	[sflag:s12] =	ssyncadd.s32 $0xFFFFEBB0  }
0x61: {  	_ =	swait.ge [sflag:s19], $0xA280  }
0x62: {  	s29 =	ssub.s32 $0x2, s29;
	[sflag:s19] =	ssyncset.done $0x0  }
0x63: {  	s28 =	sadd.s32 s28, s31;
	s31 =	sshrl.u32 s29, $0x1;
	[sflag:s19] =	ssyncadd.s32 $0xFFFF5D80  }
0x64: {  	[tilespmem:s13], [sflag:$0x3] =	stream.indirect.gather [hbm4b:s7+s5], $0x8, s5, s5, $0xb8;
	[tilespmem:$0x16DA0] =	vst v63  }
0x65: {  	s29 =	ssub.s32 s29, s31;
	_ =	swait.ge [sflag:s9], $0xA280  }
0x66: {  	s29 =	smax.u32 s29, $0x1;
	[sflag:s9] =	ssyncset.done $0x0  }
0x67: {  	p0 =	sne.s32 s29, $0x1;
	[sflag:s9] =	ssyncadd.s32 $0xFFFF5D80  }
0x68: {  	[hbm4b:s28+s2] =	stream.linear.scatter [tilespmem:s13], [sflag:$0x5], $0xA280, $0x38;
	[tilespmem:$0x16DA0] =	vst v63  }
.Ltmp0:
0x69: {  	_ =	swait.ge [sflag:s16], $0xA280;
	(pc) =	sbr.rel @!p0 .LBB2_2-.Ltmp0, $4  }
0x6a: {  	[sflag:s16] =	ssyncset.done $0x0  }
0x6b: {  	[sflag:s16] =	ssyncadd.s32 $0xFFFF5D80  }
0x6c: {  	_ =	swait.ge [sflag:s19], $0xA280  }
0x6d: {  	s29 =	sadd.s32 $0xFFFFFFFF, s29;
	[sflag:s19] =	ssyncset.done $0x0  }
.LBB2_1:
0x6e: {  	p0 =	sne.s32 s29, $0x1;
	s29 =	sadd.s32 $0xFFFFFFFF, s29;
	[sflag:s19] =	ssyncadd.s32 $0xFFFF5D80  }
0x6f: {  	[tilespmem:s2], [sflag:$0x1] =	stream.linear.gather [hbm4b:s3+s2], $0x1450, $0x38;
	[tilespmem:$0x16DA0] =	vst v63  }
0x70: {  	_ = 	snop  }
0x71: {  	[tilespmem:s5], [sflag:$0x2] =	stream.linear.gather [hbm4b:s4+s2], $0x1450, $0x38;
	[tilespmem:$0x16DA0] =	vst v63  }
0x72: {  	_ =	swait.ge [sflag:s6], $0x1450  }
0x73: {  	[sflag:s6] =	ssyncset.done $0x0  }
0x74: {  	[sflag:s6] =	ssyncadd.s32 $0xFFFFEBB0  }
0x75: {  	[tilespmem:s8], [sflag:$0x3] =	stream.indirect.gather [hbm4b:s7+s5], $0x8, s2, s5, $0xb8;
	[tilespmem:$0x16DA0] =	vst v63  }
0x76: {  	_ =	swait.ge [sflag:s9], $0xA280  }
0x77: {  	[sflag:s9] =	ssyncset.done $0x0  }
0x78: {  	[sflag:s9] =	ssyncadd.s32 $0xFFFF5D80  }
0x79: {  	[hbm4b:s10+s2] =	stream.linear.scatter [tilespmem:s8], [sflag:$0x4], $0xA280, $0x38;
	[tilespmem:$0x16DA0] =	vst v63  }
0x7a: {  	_ = 	snop  }
0x7b: {  	[tilespmem:s2], [sflag:$0x1] =	stream.linear.gather [hbm4b:s11+s2], $0x1450, $0x38;
	[tilespmem:$0x16DA0] =	vst v63  }
0x7c: {  	_ =	swait.ge [sflag:s12], $0x1450  }
0x7d: {  	[sflag:s12] =	ssyncset.done $0x0  }
0x7e: {  	[sflag:s12] =	ssyncadd.s32 $0xFFFFEBB0  }
0x7f: {  	[tilespmem:s13], [sflag:$0x3] =	stream.indirect.gather [hbm4b:s7+s5], $0x8, s5, s5, $0xb8;
	[tilespmem:$0x16DA0] =	vst v63  }
0x80: {  	_ =	swait.ge [sflag:s9], $0xA280  }
0x81: {  	[sflag:s9] =	ssyncset.done $0x0  }
0x82: {  	[sflag:s9] =	ssyncadd.s32 $0xFFFF5D80  }
0x83: {  	[hbm4b:s14+s2] =	stream.linear.scatter [tilespmem:s13], [sflag:$0x5], $0xA280, $0x38;
	[tilespmem:$0x16DA0] =	vst v63  }
0x84: {  	_ = 	snop  }
0x85: {  	[tilespmem:s5], [sflag:$0x2] =	stream.linear.gather [hbm4b:s15+s2], $0x1450, $0x38;
	[tilespmem:$0x16DA0] =	vst v63  }
0x86: {  	_ =	swait.ge [sflag:s6], $0x1450  }
0x87: {  	[sflag:s6] =	ssyncset.done $0x0  }
0x88: {  	[sflag:s6] =	ssyncadd.s32 $0xFFFFEBB0  }
0x89: {  	_ =	swait.ge [sflag:s16], $0xA280  }
0x8a: {  	[sflag:s16] =	ssyncset.done $0x0  }
0x8b: {  	[sflag:s16] =	ssyncadd.s32 $0xFFFF5D80  }
0x8c: {  	[tilespmem:s8], [sflag:$0x3] =	stream.indirect.gather [hbm4b:s7+s5], $0x8, s2, s5, $0xb8;
	[tilespmem:$0x16DA0] =	vst v63  }
0x8d: {  	_ =	swait.ge [sflag:s9], $0xA280  }
0x8e: {  	[sflag:s9] =	ssyncset.done $0x0  }
0x8f: {  	[sflag:s9] =	ssyncadd.s32 $0xFFFF5D80  }
0x90: {  	[hbm4b:s17+s2] =	stream.linear.scatter [tilespmem:s8], [sflag:$0x4], $0xA280, $0x38;
	[tilespmem:$0x16DA0] =	vst v63  }
0x91: {  	_ = 	snop  }
0x92: {  	[tilespmem:s2], [sflag:$0x1] =	stream.linear.gather [hbm4b:s18+s2], $0x1450, $0x38;
	[tilespmem:$0x16DA0] =	vst v63  }
0x93: {  	_ =	swait.ge [sflag:s12], $0x1450  }
0x94: {  	[sflag:s12] =	ssyncset.done $0x0  }
0x95: {  	[sflag:s12] =	ssyncadd.s32 $0xFFFFEBB0  }
0x96: {  	_ =	swait.ge [sflag:s19], $0xA280  }
0x97: {  	[sflag:s19] =	ssyncset.done $0x0  }
0x98: {  	[sflag:s19] =	ssyncadd.s32 $0xFFFF5D80  }
0x99: {  	[tilespmem:s13], [sflag:$0x3] =	stream.indirect.gather [hbm4b:s7+s5], $0x8, s5, s5, $0xb8;
	[tilespmem:$0x16DA0] =	vst v63  }
0x9a: {  	_ =	swait.ge [sflag:s9], $0xA280  }
0x9b: {  	[sflag:s9] =	ssyncset.done $0x0  }
0x9c: {  	[sflag:s9] =	ssyncadd.s32 $0xFFFF5D80  }
0x9d: {  	[hbm4b:s20+s2] =	stream.linear.scatter [tilespmem:s13], [sflag:$0x5], $0xA280, $0x38;
	[tilespmem:$0x16DA0] =	vst v63  }
0x9e: {  	_ = 	snop  }
0x9f: {  	[tilespmem:s5], [sflag:$0x2] =	stream.linear.gather [hbm4b:s21+s2], $0x1450, $0x38;
	[tilespmem:$0x16DA0] =	vst v63  }
0xa0: {  	_ =	swait.ge [sflag:s6], $0x1450  }
0xa1: {  	[sflag:s6] =	ssyncset.done $0x0  }
0xa2: {  	[sflag:s6] =	ssyncadd.s32 $0xFFFFEBB0  }
0xa3: {  	_ =	swait.ge [sflag:s16], $0xA280  }
0xa4: {  	[sflag:s16] =	ssyncset.done $0x0  }
0xa5: {  	[sflag:s16] =	ssyncadd.s32 $0xFFFF5D80  }
0xa6: {  	[tilespmem:s8], [sflag:$0x3] =	stream.indirect.gather [hbm4b:s7+s5], $0x8, s2, s5, $0xb8;
	[tilespmem:$0x16DA0] =	vst v63  }
0xa7: {  	_ =	swait.ge [sflag:s9], $0xA280  }
0xa8: {  	[sflag:s9] =	ssyncset.done $0x0  }
0xa9: {  	[sflag:s9] =	ssyncadd.s32 $0xFFFF5D80  }
0xaa: {  	[hbm4b:s22+s2] =	stream.linear.scatter [tilespmem:s8], [sflag:$0x4], $0xA280, $0x38;
	[tilespmem:$0x16DA0] =	vst v63  }
0xab: {  	_ = 	snop  }
0xac: {  	[tilespmem:s2], [sflag:$0x1] =	stream.linear.gather [hbm4b:s23+s2], $0x1450, $0x38;
	[tilespmem:$0x16DA0] =	vst v63  }
0xad: {  	_ =	swait.ge [sflag:s12], $0x1450  }
0xae: {  	[sflag:s12] =	ssyncset.done $0x0  }
0xaf: {  	[sflag:s12] =	ssyncadd.s32 $0xFFFFEBB0  }
0xb0: {  	_ =	swait.ge [sflag:s19], $0xA280  }
0xb1: {  	[sflag:s19] =	ssyncset.done $0x0  }
0xb2: {  	[sflag:s19] =	ssyncadd.s32 $0xFFFF5D80  }
0xb3: {  	[tilespmem:s13], [sflag:$0x3] =	stream.indirect.gather [hbm4b:s7+s5], $0x8, s5, s5, $0xb8;
	[tilespmem:$0x16DA0] =	vst v63  }
0xb4: {  	_ =	swait.ge [sflag:s9], $0xA280  }
0xb5: {  	[sflag:s9] =	ssyncset.done $0x0  }
0xb6: {  	[sflag:s9] =	ssyncadd.s32 $0xFFFF5D80  }
0xb7: {  	[hbm4b:s24+s2] =	stream.linear.scatter [tilespmem:s13], [sflag:$0x5], $0xA280, $0x38;
	[tilespmem:$0x16DA0] =	vst v63  }
0xb8: {  	_ = 	snop  }
0xb9: {  	[tilespmem:s5], [sflag:$0x2] =	stream.linear.gather [hbm4b:s25+s2], $0x1450, $0x38;
	[tilespmem:$0x16DA0] =	vst v63  }
0xba: {  	_ =	swait.ge [sflag:s6], $0x1450  }
0xbb: {  	[sflag:s6] =	ssyncset.done $0x0  }
0xbc: {  	[sflag:s6] =	ssyncadd.s32 $0xFFFFEBB0  }
0xbd: {  	_ =	swait.ge [sflag:s16], $0xA280  }
0xbe: {  	[sflag:s16] =	ssyncset.done $0x0  }
0xbf: {  	[sflag:s16] =	ssyncadd.s32 $0xFFFF5D80  }
0xc0: {  	[tilespmem:s8], [sflag:$0x3] =	stream.indirect.gather [hbm4b:s7+s5], $0x8, s2, s5, $0xb8;
	[tilespmem:$0x16DA0] =	vst v63  }
0xc1: {  	_ =	swait.ge [sflag:s9], $0xA280  }
0xc2: {  	[sflag:s9] =	ssyncset.done $0x0  }
0xc3: {  	[sflag:s9] =	ssyncadd.s32 $0xFFFF5D80  }
0xc4: {  	[hbm4b:s26+s2] =	stream.linear.scatter [tilespmem:s8], [sflag:$0x4], $0xA280, $0x38;
	[tilespmem:$0x16DA0] =	vst v63  }
0xc5: {  	_ =	swait.ge [sflag:s12], $0x1450  }
0xc6: {  	[sflag:s12] =	ssyncset.done $0x0  }
0xc7: {  	[sflag:s12] =	ssyncadd.s32 $0xFFFFEBB0  }
0xc8: {  	_ =	swait.ge [sflag:s19], $0xA280  }
0xc9: {  	[sflag:s19] =	ssyncset.done $0x0  }
0xca: {  	[sflag:s19] =	ssyncadd.s32 $0xFFFF5D80  }
0xcb: {  	[tilespmem:s13], [sflag:$0x3] =	stream.indirect.gather [hbm4b:s7+s5], $0x8, s5, s5, $0xb8;
	[tilespmem:$0x16DA0] =	vst v63  }
0xcc: {  	_ =	swait.ge [sflag:s9], $0xA280  }
0xcd: {  	[sflag:s9] =	ssyncset.done $0x0  }
0xce: {  	[sflag:s9] =	ssyncadd.s32 $0xFFFF5D80  }
0xcf: {  	[hbm4b:s28+s2] =	stream.linear.scatter [tilespmem:s13], [sflag:$0x5], $0xA280, $0x38;
	[tilespmem:$0x16DA0] =	vst v63  }
.Ltmp1:
0xd0: {  	_ =	swait.ge [sflag:s16], $0xA280;
	(pc) =	sbr.rel @p0 .LBB2_1-.Ltmp1, $4  }
0xd1: {  	[sflag:s16] =	ssyncset.done $0x0  }
0xd2: {  	[sflag:s16] =	ssyncadd.s32 $0xFFFF5D80  }
0xd3: {  	_ =	swait.ge [sflag:s19], $0xA280  }
0xd4: {  	[sflag:s19] =	ssyncset.done $0x0  }
.LBB2_2:
0xd5: {  	[sflag:s19] =	ssyncadd.s32 $0xFFFF5D80  }
0xd6: {  	_ =	sfence.sel $0x180000  }
0xd7: {  	[bflag:$0x0] =	sbarrier.arrive $0xFFFF  }
0xd8: {  	p0 =	sne.s32 s0, $0x0;
	_ =	strace $0x90000047  }
0xd9: {  	s0 =	sadd.s32 @!p0 $0x100000, s1;
	[bflag:$0x2] =	sbarrier.arrive $0xFFFF  }
0xda: {  	[sflag:s0] =	ssyncadd.tile.s32 @!p0 $0x1;
	_ =	shalt  }
.Lfunc_end2:
_tile_overlayer_lowered:
.L_overlay_start_2:
0xdb: {  	(tag) =	ssettag $0x2  }
0xdc: {  	s0 =	rddreg [dreg:$0x0];
	s2 =	stileid.u32  }
0xdd: {  	s1 =	rddreg [dreg:$0x1];
	p0 =	sne.s32 s2, $0x0  }
0xde: {  	s3 =	rddreg [dreg:$0x2];
	[bflag:$0x3] =	sbarrier.arrive $0xFFFF;
	s2 =	simm.s32 @!p0 $0x1C06  }
0xdf: {  	[timem:s3], [sflag:s2] =	dma.local @!p0 [hbm:s0], s1  }
0xe0: {  	s0 =	simm.s32 @!p0 $0x6  }
0xe1: {  	_ =	swait.ge @!p0 [sflag:s0], s1  }
0xe2: {  	s1 =	ssub.s32 @!p0 $0x0, s1;
	[sflag:s0] =	ssyncset.done @!p0 $0x0  }
0xe3: {  	[sflag:s0] =	ssyncadd.s32 @!p0 s1  }
0xe4: {  	[bflag:$0x3] =	sbarrier.arrive $0xFFFF  }
0xe5: {  	_ =	shalt  }

</sc_bundles>
